<compile_context>
chip_gen: v7x
topology: tpu7x:2x2x1
jax: 0.10.2.dev20260603
libtpu: 0.0.44.dev20260713+nightly
codegen_flags: <defaults>
</compile_context>

<pallas_src>
import functools

import jax
import jax.numpy as jnp
import numpy as np
from jax import lax
from jax.experimental import pallas as pl
from jax.experimental.pallas import tpu as pltpu
from jax.experimental.pallas import tpu_sc as plsc

EMBED_DIM = 64
CHUNK = 128
NBUF = 8
PAD_H = 24


@functools.lru_cache(maxsize=None)
def _build(n_rows, hist):
    info = plsc.get_sparse_core_info()
    nc, ns = info.num_cores, info.num_subcores
    nw = nc * ns
    per_w = n_rows // nw
    assert per_w * nw == n_rows and per_w % CHUNK == 0
    n_chunks = per_w // CHUNK
    assert n_chunks % NBUF == 0
    rounds = n_chunks // NBUF
    n_batches = n_rows // hist
    out_rows = n_batches * PAD_H * 2
    mesh = plsc.VectorSubcoreMesh(core_axis_name="c", subcore_axis_name="s")

    @functools.partial(
        pl.kernel,
        out_type=jax.ShapeDtypeStruct((out_rows, EMBED_DIM), jnp.float32),
        mesh=mesh,
        compiler_params=pltpu.CompilerParams(use_tc_tiling_on_sc=False),
        scratch_types=[
            pltpu.VMEM((n_chunks, CHUNK), jnp.int32),
            pltpu.VMEM((n_chunks, CHUNK), jnp.int32),
            *[pltpu.VMEM((CHUNK, EMBED_DIM), jnp.float32) for _ in range(NBUF)],
            *[pltpu.SemaphoreType.DMA for _ in range(2 * NBUF)],
        ],
    )
    def k(idx_hbm, didx_hbm, table_hbm, out_hbm, idx_v, didx_v, *rest):
        bufs = rest[:NBUF]
        gsems = rest[NBUF:2 * NBUF]
        ssems = rest[2 * NBUF:]
        wid = lax.axis_index("s") * nc + lax.axis_index("c")
        crow0 = wid * n_chunks

        pltpu.sync_copy(idx_hbm.at[pl.ds(crow0, n_chunks)], idx_v)
        pltpu.sync_copy(didx_hbm.at[pl.ds(crow0, n_chunks)], didx_v)

        def gather(g, b):
            return pltpu.make_async_copy(
                table_hbm.at[idx_v.at[g]], bufs[b], gsems[b])

        def scatter(g, b):
            return pltpu.make_async_copy(
                bufs[b], out_hbm.at[didx_v.at[g]], ssems[b])

        for b in range(NBUF):
            gather(b, b).start()

        def round_body(r, carry):
            for b in range(NBUF):
                g = r * NBUF + b
                gather(g, b).wait()
                scatter(g, b).start()
            for b in range(NBUF):
                g = r * NBUF + b
                scatter(g, b).wait()
                gather(g + NBUF, b).start()
            return carry

        lax.fori_loop(0, rounds - 1, round_body, 0)

        last = (rounds - 1) * NBUF
        for b in range(NBUF):
            gather(last + b, b).wait()
            scatter(last + b, b).start()
        for b in range(NBUF):
            scatter(last + b, b).wait()

    return k


def kernel(x, table):
    batch, hist = x.shape
    n_rows = batch * hist
    idx = x.reshape(n_rows // CHUNK, CHUNK)
    n = np.arange(n_rows, dtype=np.int64)
    didx_np = 2 * (PAD_H * (n // hist) + n % hist)
    didx = jnp.asarray(
        didx_np.reshape(n_rows // CHUNK, CHUNK).astype(np.int32))
    out = _build(n_rows, hist)(idx, didx, table)
    out3 = out.reshape(batch, PAD_H, 2 * EMBED_DIM)
    return out3[:, :hist, :EMBED_DIM]

# --- scband reference (transcript-rebuilt; emitter-appended) ---
"""Pipeline reference for scband-block-embedding-53223234732238 (READ-ONLY COPY).

The authoritative reference and input builder live on the scoring server;
editing this copy changes nothing except your own understanding.
"""

import jax, jax.numpy as jnp
import numpy as np

VOCAB = 1000000
EMBED_DIM = 64
BATCH = 16384
HIST = 20

def setup_inputs(seed: int = 0) -> dict:
    key = jax.random.key(seed)
    k_idx, k_tab = jax.random.split(key)
    x = jax.random.randint(k_idx, (BATCH, HIST), 0, VOCAB, dtype=jnp.int64 if jax.config.jax_enable_x64 else jnp.int32)
    table = jax.random.normal(k_tab, (VOCAB, EMBED_DIM), dtype=jnp.float32) * 0.02
    return {"x": x, "table": table}

def reference(x, table):
    # Faithful translation of flax nn.Embed lookup: table[x]
    return jnp.take(table, x, axis=0)

if __name__ == "__main__":
    import jax
    _d = setup_inputs()
    print(jax.jit(kernel)(*tuple(_d.values())))

</pallas_src>

<mosaic_0001>
#map = affine_map<(d0, d1) -> (0, 0)>
module attributes {stable_mosaic.version = 14 : i64} {
  func.func @k(%arg0: i32, %arg1: i32, %arg2: memref<2560x128xi32, #tpu.memory_space<hbm>>, %arg3: memref<2560x128xi32, #tpu.memory_space<hbm>>, %arg4: memref<1000000x64xf32, #tpu.memory_space<hbm>>, %arg5: memref<786432x64xf32, #tpu.memory_space<hbm>>, %arg6: memref<80x128xi32, #tpu.memory_space<vmem>>, %arg7: memref<80x128xi32, #tpu.memory_space<vmem>>, %arg8: memref<128x64xf32, #tpu.memory_space<vmem>>, %arg9: memref<128x64xf32, #tpu.memory_space<vmem>>, %arg10: memref<128x64xf32, #tpu.memory_space<vmem>>, %arg11: memref<128x64xf32, #tpu.memory_space<vmem>>, %arg12: memref<128x64xf32, #tpu.memory_space<vmem>>, %arg13: memref<128x64xf32, #tpu.memory_space<vmem>>, %arg14: memref<128x64xf32, #tpu.memory_space<vmem>>, %arg15: memref<128x64xf32, #tpu.memory_space<vmem>>, %arg16: memref<!tpu.dma_semaphore, #tpu.memory_space<semaphore_mem>>, %arg17: memref<!tpu.dma_semaphore, #tpu.memory_space<semaphore_mem>>, %arg18: memref<!tpu.dma_semaphore, #tpu.memory_space<semaphore_mem>>, %arg19: memref<!tpu.dma_semaphore, #tpu.memory_space<semaphore_mem>>, %arg20: memref<!tpu.dma_semaphore, #tpu.memory_space<semaphore_mem>>, %arg21: memref<!tpu.dma_semaphore, #tpu.memory_space<semaphore_mem>>, %arg22: memref<!tpu.dma_semaphore, #tpu.memory_space<semaphore_mem>>, %arg23: memref<!tpu.dma_semaphore, #tpu.memory_space<semaphore_mem>>, %arg24: memref<!tpu.dma_semaphore, #tpu.memory_space<semaphore_mem>>, %arg25: memref<!tpu.dma_semaphore, #tpu.memory_space<semaphore_mem>>, %arg26: memref<!tpu.dma_semaphore, #tpu.memory_space<semaphore_mem>>, %arg27: memref<!tpu.dma_semaphore, #tpu.memory_space<semaphore_mem>>, %arg28: memref<!tpu.dma_semaphore, #tpu.memory_space<semaphore_mem>>, %arg29: memref<!tpu.dma_semaphore, #tpu.memory_space<semaphore_mem>>, %arg30: memref<!tpu.dma_semaphore, #tpu.memory_space<semaphore_mem>>, %arg31: memref<!tpu.dma_semaphore, #tpu.memory_space<semaphore_mem>>) attributes {dimension_semantics = [#tpu.dimension_semantics<core_parallel>, #tpu.dimension_semantics<subcore_parallel>], iteration_bounds = array<i64: 2, 16>, scalar_prefetch = 0 : i64, scratch_operands = 26 : i64, tpu.core_type = #tpu.core_type<sc_vector_subcore>, window_params = [{transform_indices = #map}, {transform_indices = #map}, {transform_indices = #map}, {transform_indices = #map}]} {
    %mul3A = arith.constant 2 : i32
    %mul3A_0 = arith.muli %arg1, %mul3A : i32
    %add3A = arith.addi %mul3A_0, %arg0 : i32
    %mul3A_1 = arith.constant 80 : i32
    %mul3A_2 = arith.muli %add3A, %mul3A_1 : i32
    "tpu.region"() ({
      %run_scoped3A = tpu.sem_alloc : memref<!tpu.dma_semaphore, #tpu.memory_space<semaphore_mem>>
      %dma_start3A_230 = arith.constant 0 : i32
      %dma_start3A_231 = tpu.memref_slice %arg2[%mul3A_2, %dma_start3A_230] : memref<2560x128xi32, #tpu.memory_space<hbm>> -> memref<80x128xi32, #tpu.memory_space<hbm>>
      %dma_start3A_232 = arith.constant 0 : i32
      %dma_start3A_233 = tpu.memref_slice %arg2[%mul3A_2, %dma_start3A_232] : memref<2560x128xi32, #tpu.memory_space<hbm>> -> memref<80x128xi32, #tpu.memory_space<hbm>>
      tpu.enqueue_dma source(%dma_start3A_233 : memref<80x128xi32, #tpu.memory_space<hbm>>) target(%arg6 : memref<80x128xi32, #tpu.memory_space<vmem>>) target_semaphore(%run_scoped3A : memref<!tpu.dma_semaphore, #tpu.memory_space<semaphore_mem>>)
      %dma_wait3A_234 = arith.constant 0 : i32
      %dma_wait3A_235 = tpu.memref_slice %arg2[%mul3A_2, %dma_wait3A_234] : memref<2560x128xi32, #tpu.memory_space<hbm>> -> memref<80x128xi32, #tpu.memory_space<hbm>>
      %dma_wait3A_236 = arith.constant 0 : i32
      %dma_wait3A_237 = tpu.memref_slice %arg2[%mul3A_2, %dma_wait3A_236] : memref<2560x128xi32, #tpu.memory_space<hbm>> -> memref<80x128xi32, #tpu.memory_space<hbm>>
      tpu.wait_dma2 semaphore(%run_scoped3A : memref<!tpu.dma_semaphore, #tpu.memory_space<semaphore_mem>>) src(%dma_wait3A_237 : memref<80x128xi32, #tpu.memory_space<hbm>>) dst(%arg6 : memref<80x128xi32, #tpu.memory_space<vmem>>)
      tpu.yield
    }) : () -> ()
    "tpu.region"() ({
      %run_scoped3A = tpu.sem_alloc : memref<!tpu.dma_semaphore, #tpu.memory_space<semaphore_mem>>
      %dma_start3A_230 = arith.constant 0 : i32
      %dma_start3A_231 = tpu.memref_slice %arg3[%mul3A_2, %dma_start3A_230] : memref<2560x128xi32, #tpu.memory_space<hbm>> -> memref<80x128xi32, #tpu.memory_space<hbm>>
      %dma_start3A_232 = arith.constant 0 : i32
      %dma_start3A_233 = tpu.memref_slice %arg3[%mul3A_2, %dma_start3A_232] : memref<2560x128xi32, #tpu.memory_space<hbm>> -> memref<80x128xi32, #tpu.memory_space<hbm>>
      tpu.enqueue_dma source(%dma_start3A_233 : memref<80x128xi32, #tpu.memory_space<hbm>>) target(%arg7 : memref<80x128xi32, #tpu.memory_space<vmem>>) target_semaphore(%run_scoped3A : memref<!tpu.dma_semaphore, #tpu.memory_space<semaphore_mem>>)
      %dma_wait3A_234 = arith.constant 0 : i32
      %dma_wait3A_235 = tpu.memref_slice %arg3[%mul3A_2, %dma_wait3A_234] : memref<2560x128xi32, #tpu.memory_space<hbm>> -> memref<80x128xi32, #tpu.memory_space<hbm>>
      %dma_wait3A_236 = arith.constant 0 : i32
      %dma_wait3A_237 = tpu.memref_slice %arg3[%mul3A_2, %dma_wait3A_236] : memref<2560x128xi32, #tpu.memory_space<hbm>> -> memref<80x128xi32, #tpu.memory_space<hbm>>
      tpu.wait_dma2 semaphore(%run_scoped3A : memref<!tpu.dma_semaphore, #tpu.memory_space<semaphore_mem>>) src(%dma_wait3A_237 : memref<80x128xi32, #tpu.memory_space<hbm>>) dst(%arg7 : memref<80x128xi32, #tpu.memory_space<vmem>>)
      tpu.yield
    }) : () -> ()
    %dma_start3A = arith.constant 0 : i32
    %dma_start3A_3 = arith.constant 0 : i32
    %dma_start3A_4 = tpu.memref_slice %arg6[%dma_start3A, %dma_start3A_3] : memref<80x128xi32, #tpu.memory_space<vmem>> -> memref<1x128xi32, #tpu.memory_space<vmem>>
    %dma_start3A_5 = tpu.memref_squeeze %dma_start3A_4 : memref<1x128xi32, #tpu.memory_space<vmem>> -> memref<128xi32, #tpu.memory_space<vmem>>
    %dma_start3A_6 = arith.constant 0 : i32
    %dma_start3A_7 = arith.constant 0 : i32
    %dma_start3A_8 = tpu.memref_slice %arg4[%dma_start3A_6, %dma_start3A_7] : memref<1000000x64xf32, #tpu.memory_space<hbm>> -> memref<1000000x64xf32, #tpu.memory_space<hbm>>
    tpu.enqueue_indirect_dma source(%dma_start3A_8 : memref<1000000x64xf32, #tpu.memory_space<hbm>>) target(%arg8 : memref<128x64xf32, #tpu.memory_space<vmem>>) offsets(%dma_start3A_5 : memref<128xi32, #tpu.memory_space<vmem>>) semaphore(%arg16 : memref<!tpu.dma_semaphore, #tpu.memory_space<semaphore_mem>>)
    %dma_start3A_9 = arith.constant 1 : i32
    %dma_start3A_10 = arith.constant 0 : i32
    %dma_start3A_11 = tpu.memref_slice %arg6[%dma_start3A_9, %dma_start3A_10] : memref<80x128xi32, #tpu.memory_space<vmem>> -> memref<1x128xi32, #tpu.memory_space<vmem>>
    %dma_start3A_12 = tpu.memref_squeeze %dma_start3A_11 : memref<1x128xi32, #tpu.memory_space<vmem>> -> memref<128xi32, #tpu.memory_space<vmem>>
    %dma_start3A_13 = arith.constant 0 : i32
    %dma_start3A_14 = arith.constant 0 : i32
    %dma_start3A_15 = tpu.memref_slice %arg4[%dma_start3A_13, %dma_start3A_14] : memref<1000000x64xf32, #tpu.memory_space<hbm>> -> memref<1000000x64xf32, #tpu.memory_space<hbm>>
    tpu.enqueue_indirect_dma source(%dma_start3A_15 : memref<1000000x64xf32, #tpu.memory_space<hbm>>) target(%arg9 : memref<128x64xf32, #tpu.memory_space<vmem>>) offsets(%dma_start3A_12 : memref<128xi32, #tpu.memory_space<vmem>>) semaphore(%arg17 : memref<!tpu.dma_semaphore, #tpu.memory_space<semaphore_mem>>)
    %dma_start3A_16 = arith.constant 2 : i32
    %dma_start3A_17 = arith.constant 0 : i32
    %dma_start3A_18 = tpu.memref_slice %arg6[%dma_start3A_16, %dma_start3A_17] : memref<80x128xi32, #tpu.memory_space<vmem>> -> memref<1x128xi32, #tpu.memory_space<vmem>>
    %dma_start3A_19 = tpu.memref_squeeze %dma_start3A_18 : memref<1x128xi32, #tpu.memory_space<vmem>> -> memref<128xi32, #tpu.memory_space<vmem>>
    %dma_start3A_20 = arith.constant 0 : i32
    %dma_start3A_21 = arith.constant 0 : i32
    %dma_start3A_22 = tpu.memref_slice %arg4[%dma_start3A_20, %dma_start3A_21] : memref<1000000x64xf32, #tpu.memory_space<hbm>> -> memref<1000000x64xf32, #tpu.memory_space<hbm>>
    tpu.enqueue_indirect_dma source(%dma_start3A_22 : memref<1000000x64xf32, #tpu.memory_space<hbm>>) target(%arg10 : memref<128x64xf32, #tpu.memory_space<vmem>>) offsets(%dma_start3A_19 : memref<128xi32, #tpu.memory_space<vmem>>) semaphore(%arg18 : memref<!tpu.dma_semaphore, #tpu.memory_space<semaphore_mem>>)
    %dma_start3A_23 = arith.constant 3 : i32
    %dma_start3A_24 = arith.constant 0 : i32
    %dma_start3A_25 = tpu.memref_slice %arg6[%dma_start3A_23, %dma_start3A_24] : memref<80x128xi32, #tpu.memory_space<vmem>> -> memref<1x128xi32, #tpu.memory_space<vmem>>
    %dma_start3A_26 = tpu.memref_squeeze %dma_start3A_25 : memref<1x128xi32, #tpu.memory_space<vmem>> -> memref<128xi32, #tpu.memory_space<vmem>>
    %dma_start3A_27 = arith.constant 0 : i32
    %dma_start3A_28 = arith.constant 0 : i32
    %dma_start3A_29 = tpu.memref_slice %arg4[%dma_start3A_27, %dma_start3A_28] : memref<1000000x64xf32, #tpu.memory_space<hbm>> -> memref<1000000x64xf32, #tpu.memory_space<hbm>>
    tpu.enqueue_indirect_dma source(%dma_start3A_29 : memref<1000000x64xf32, #tpu.memory_space<hbm>>) target(%arg11 : memref<128x64xf32, #tpu.memory_space<vmem>>) offsets(%dma_start3A_26 : memref<128xi32, #tpu.memory_space<vmem>>) semaphore(%arg19 : memref<!tpu.dma_semaphore, #tpu.memory_space<semaphore_mem>>)
    %dma_start3A_30 = arith.constant 4 : i32
    %dma_start3A_31 = arith.constant 0 : i32
    %dma_start3A_32 = tpu.memref_slice %arg6[%dma_start3A_30, %dma_start3A_31] : memref<80x128xi32, #tpu.memory_space<vmem>> -> memref<1x128xi32, #tpu.memory_space<vmem>>
    %dma_start3A_33 = tpu.memref_squeeze %dma_start3A_32 : memref<1x128xi32, #tpu.memory_space<vmem>> -> memref<128xi32, #tpu.memory_space<vmem>>
    %dma_start3A_34 = arith.constant 0 : i32
    %dma_start3A_35 = arith.constant 0 : i32
    %dma_start3A_36 = tpu.memref_slice %arg4[%dma_start3A_34, %dma_start3A_35] : memref<1000000x64xf32, #tpu.memory_space<hbm>> -> memref<1000000x64xf32, #tpu.memory_space<hbm>>
    tpu.enqueue_indirect_dma source(%dma_start3A_36 : memref<1000000x64xf32, #tpu.memory_space<hbm>>) target(%arg12 : memref<128x64xf32, #tpu.memory_space<vmem>>) offsets(%dma_start3A_33 : memref<128xi32, #tpu.memory_space<vmem>>) semaphore(%arg20 : memref<!tpu.dma_semaphore, #tpu.memory_space<semaphore_mem>>)
    %dma_start3A_37 = arith.constant 5 : i32
    %dma_start3A_38 = arith.constant 0 : i32
    %dma_start3A_39 = tpu.memref_slice %arg6[%dma_start3A_37, %dma_start3A_38] : memref<80x128xi32, #tpu.memory_space<vmem>> -> memref<1x128xi32, #tpu.memory_space<vmem>>
    %dma_start3A_40 = tpu.memref_squeeze %dma_start3A_39 : memref<1x128xi32, #tpu.memory_space<vmem>> -> memref<128xi32, #tpu.memory_space<vmem>>
    %dma_start3A_41 = arith.constant 0 : i32
    %dma_start3A_42 = arith.constant 0 : i32
    %dma_start3A_43 = tpu.memref_slice %arg4[%dma_start3A_41, %dma_start3A_42] : memref<1000000x64xf32, #tpu.memory_space<hbm>> -> memref<1000000x64xf32, #tpu.memory_space<hbm>>
    tpu.enqueue_indirect_dma source(%dma_start3A_43 : memref<1000000x64xf32, #tpu.memory_space<hbm>>) target(%arg13 : memref<128x64xf32, #tpu.memory_space<vmem>>) offsets(%dma_start3A_40 : memref<128xi32, #tpu.memory_space<vmem>>) semaphore(%arg21 : memref<!tpu.dma_semaphore, #tpu.memory_space<semaphore_mem>>)
    %dma_start3A_44 = arith.constant 6 : i32
    %dma_start3A_45 = arith.constant 0 : i32
    %dma_start3A_46 = tpu.memref_slice %arg6[%dma_start3A_44, %dma_start3A_45] : memref<80x128xi32, #tpu.memory_space<vmem>> -> memref<1x128xi32, #tpu.memory_space<vmem>>
    %dma_start3A_47 = tpu.memref_squeeze %dma_start3A_46 : memref<1x128xi32, #tpu.memory_space<vmem>> -> memref<128xi32, #tpu.memory_space<vmem>>
    %dma_start3A_48 = arith.constant 0 : i32
    %dma_start3A_49 = arith.constant 0 : i32
    %dma_start3A_50 = tpu.memref_slice %arg4[%dma_start3A_48, %dma_start3A_49] : memref<1000000x64xf32, #tpu.memory_space<hbm>> -> memref<1000000x64xf32, #tpu.memory_space<hbm>>
    tpu.enqueue_indirect_dma source(%dma_start3A_50 : memref<1000000x64xf32, #tpu.memory_space<hbm>>) target(%arg14 : memref<128x64xf32, #tpu.memory_space<vmem>>) offsets(%dma_start3A_47 : memref<128xi32, #tpu.memory_space<vmem>>) semaphore(%arg22 : memref<!tpu.dma_semaphore, #tpu.memory_space<semaphore_mem>>)
    %dma_start3A_51 = arith.constant 7 : i32
    %dma_start3A_52 = arith.constant 0 : i32
    %dma_start3A_53 = tpu.memref_slice %arg6[%dma_start3A_51, %dma_start3A_52] : memref<80x128xi32, #tpu.memory_space<vmem>> -> memref<1x128xi32, #tpu.memory_space<vmem>>
    %dma_start3A_54 = tpu.memref_squeeze %dma_start3A_53 : memref<1x128xi32, #tpu.memory_space<vmem>> -> memref<128xi32, #tpu.memory_space<vmem>>
    %dma_start3A_55 = arith.constant 0 : i32
    %dma_start3A_56 = arith.constant 0 : i32
    %dma_start3A_57 = tpu.memref_slice %arg4[%dma_start3A_55, %dma_start3A_56] : memref<1000000x64xf32, #tpu.memory_space<hbm>> -> memref<1000000x64xf32, #tpu.memory_space<hbm>>
    tpu.enqueue_indirect_dma source(%dma_start3A_57 : memref<1000000x64xf32, #tpu.memory_space<hbm>>) target(%arg15 : memref<128x64xf32, #tpu.memory_space<vmem>>) offsets(%dma_start3A_54 : memref<128xi32, #tpu.memory_space<vmem>>) semaphore(%arg23 : memref<!tpu.dma_semaphore, #tpu.memory_space<semaphore_mem>>)
    %scan3A = arith.constant 0 : i32
    %scan3A_58 = arith.constant 0 : i32
    %scan3A_59 = arith.constant 9 : i32
    %scan3A_60 = arith.addi %scan3A_58, %scan3A_59 : i32
    %scan3A_61 = arith.constant 1 : i32
    scf.for %scan3A_230 = %scan3A_58 to %scan3A_60 step %scan3A_61  : i32 {
      %mul3A_231 = arith.constant 8 : i32
      %mul3A_232 = arith.muli %scan3A_230, %mul3A_231 : i32
      %add3A_233 = arith.constant 0 : i32
      %add3A_234 = arith.addi %mul3A_232, %add3A_233 : i32
      %dma_wait3A_235 = arith.constant 0 : i32
      %dma_wait3A_236 = tpu.memref_slice %arg6[%add3A_234, %dma_wait3A_235] : memref<80x128xi32, #tpu.memory_space<vmem>> -> memref<1x128xi32, #tpu.memory_space<vmem>>
      %dma_wait3A_237 = tpu.memref_squeeze %dma_wait3A_236 : memref<1x128xi32, #tpu.memory_space<vmem>> -> memref<128xi32, #tpu.memory_space<vmem>>
      %dma_wait3A_238 = arith.constant 0 : i32
      %dma_wait3A_239 = arith.constant 0 : i32
      %dma_wait3A_240 = tpu.memref_slice %arg4[%dma_wait3A_238, %dma_wait3A_239] : memref<1000000x64xf32, #tpu.memory_space<hbm>> -> memref<1000000x64xf32, #tpu.memory_space<hbm>>
      tpu.wait_indirect_dma semaphore(%arg16 : memref<!tpu.dma_semaphore, #tpu.memory_space<semaphore_mem>>) src(%dma_wait3A_240 : memref<1000000x64xf32, #tpu.memory_space<hbm>>) dst(%arg8 : memref<128x64xf32, #tpu.memory_space<vmem>>)
      %dma_start3A_241 = arith.constant 0 : i32
      %dma_start3A_242 = tpu.memref_slice %arg7[%add3A_234, %dma_start3A_241] : memref<80x128xi32, #tpu.memory_space<vmem>> -> memref<1x128xi32, #tpu.memory_space<vmem>>
      %dma_start3A_243 = tpu.memref_squeeze %dma_start3A_242 : memref<1x128xi32, #tpu.memory_space<vmem>> -> memref<128xi32, #tpu.memory_space<vmem>>
      %dma_start3A_244 = arith.constant 0 : i32
      %dma_start3A_245 = arith.constant 0 : i32
      %dma_start3A_246 = tpu.memref_slice %arg5[%dma_start3A_244, %dma_start3A_245] : memref<786432x64xf32, #tpu.memory_space<hbm>> -> memref<786432x64xf32, #tpu.memory_space<hbm>>
      tpu.enqueue_indirect_dma source(%arg8 : memref<128x64xf32, #tpu.memory_space<vmem>>) target(%dma_start3A_246 : memref<786432x64xf32, #tpu.memory_space<hbm>>) offsets(%dma_start3A_243 : memref<128xi32, #tpu.memory_space<vmem>>) semaphore(%arg24 : memref<!tpu.dma_semaphore, #tpu.memory_space<semaphore_mem>>)
      %mul3A_247 = arith.constant 8 : i32
      %mul3A_248 = arith.muli %scan3A_230, %mul3A_247 : i32
      %add3A_249 = arith.constant 1 : i32
      %add3A_250 = arith.addi %mul3A_248, %add3A_249 : i32
      %dma_wait3A_251 = arith.constant 0 : i32
      %dma_wait3A_252 = tpu.memref_slice %arg6[%add3A_250, %dma_wait3A_251] : memref<80x128xi32, #tpu.memory_space<vmem>> -> memref<1x128xi32, #tpu.memory_space<vmem>>
      %dma_wait3A_253 = tpu.memref_squeeze %dma_wait3A_252 : memref<1x128xi32, #tpu.memory_space<vmem>> -> memref<128xi32, #tpu.memory_space<vmem>>
      %dma_wait3A_254 = arith.constant 0 : i32
      %dma_wait3A_255 = arith.constant 0 : i32
      %dma_wait3A_256 = tpu.memref_slice %arg4[%dma_wait3A_254, %dma_wait3A_255] : memref<1000000x64xf32, #tpu.memory_space<hbm>> -> memref<1000000x64xf32, #tpu.memory_space<hbm>>
      tpu.wait_indirect_dma semaphore(%arg17 : memref<!tpu.dma_semaphore, #tpu.memory_space<semaphore_mem>>) src(%dma_wait3A_256 : memref<1000000x64xf32, #tpu.memory_space<hbm>>) dst(%arg9 : memref<128x64xf32, #tpu.memory_space<vmem>>)
      %dma_start3A_257 = arith.constant 0 : i32
      %dma_start3A_258 = tpu.memref_slice %arg7[%add3A_250, %dma_start3A_257] : memref<80x128xi32, #tpu.memory_space<vmem>> -> memref<1x128xi32, #tpu.memory_space<vmem>>
      %dma_start3A_259 = tpu.memref_squeeze %dma_start3A_258 : memref<1x128xi32, #tpu.memory_space<vmem>> -> memref<128xi32, #tpu.memory_space<vmem>>
      %dma_start3A_260 = arith.constant 0 : i32
      %dma_start3A_261 = arith.constant 0 : i32
      %dma_start3A_262 = tpu.memref_slice %arg5[%dma_start3A_260, %dma_start3A_261] : memref<786432x64xf32, #tpu.memory_space<hbm>> -> memref<786432x64xf32, #tpu.memory_space<hbm>>
      tpu.enqueue_indirect_dma source(%arg9 : memref<128x64xf32, #tpu.memory_space<vmem>>) target(%dma_start3A_262 : memref<786432x64xf32, #tpu.memory_space<hbm>>) offsets(%dma_start3A_259 : memref<128xi32, #tpu.memory_space<vmem>>) semaphore(%arg25 : memref<!tpu.dma_semaphore, #tpu.memory_space<semaphore_mem>>)
      %mul3A_263 = arith.constant 8 : i32
      %mul3A_264 = arith.muli %scan3A_230, %mul3A_263 : i32
      %add3A_265 = arith.constant 2 : i32
      %add3A_266 = arith.addi %mul3A_264, %add3A_265 : i32
      %dma_wait3A_267 = arith.constant 0 : i32
      %dma_wait3A_268 = tpu.memref_slice %arg6[%add3A_266, %dma_wait3A_267] : memref<80x128xi32, #tpu.memory_space<vmem>> -> memref<1x128xi32, #tpu.memory_space<vmem>>
      %dma_wait3A_269 = tpu.memref_squeeze %dma_wait3A_268 : memref<1x128xi32, #tpu.memory_space<vmem>> -> memref<128xi32, #tpu.memory_space<vmem>>
      %dma_wait3A_270 = arith.constant 0 : i32
      %dma_wait3A_271 = arith.constant 0 : i32
      %dma_wait3A_272 = tpu.memref_slice %arg4[%dma_wait3A_270, %dma_wait3A_271] : memref<1000000x64xf32, #tpu.memory_space<hbm>> -> memref<1000000x64xf32, #tpu.memory_space<hbm>>
      tpu.wait_indirect_dma semaphore(%arg18 : memref<!tpu.dma_semaphore, #tpu.memory_space<semaphore_mem>>) src(%dma_wait3A_272 : memref<1000000x64xf32, #tpu.memory_space<hbm>>) dst(%arg10 : memref<128x64xf32, #tpu.memory_space<vmem>>)
      %dma_start3A_273 = arith.constant 0 : i32
      %dma_start3A_274 = tpu.memref_slice %arg7[%add3A_266, %dma_start3A_273] : memref<80x128xi32, #tpu.memory_space<vmem>> -> memref<1x128xi32, #tpu.memory_space<vmem>>
      %dma_start3A_275 = tpu.memref_squeeze %dma_start3A_274 : memref<1x128xi32, #tpu.memory_space<vmem>> -> memref<128xi32, #tpu.memory_space<vmem>>
      %dma_start3A_276 = arith.constant 0 : i32
      %dma_start3A_277 = arith.constant 0 : i32
      %dma_start3A_278 = tpu.memref_slice %arg5[%dma_start3A_276, %dma_start3A_277] : memref<786432x64xf32, #tpu.memory_space<hbm>> -> memref<786432x64xf32, #tpu.memory_space<hbm>>
      tpu.enqueue_indirect_dma source(%arg10 : memref<128x64xf32, #tpu.memory_space<vmem>>) target(%dma_start3A_278 : memref<786432x64xf32, #tpu.memory_space<hbm>>) offsets(%dma_start3A_275 : memref<128xi32, #tpu.memory_space<vmem>>) semaphore(%arg26 : memref<!tpu.dma_semaphore, #tpu.memory_space<semaphore_mem>>)
      %mul3A_279 = arith.constant 8 : i32
      %mul3A_280 = arith.muli %scan3A_230, %mul3A_279 : i32
      %add3A_281 = arith.constant 3 : i32
      %add3A_282 = arith.addi %mul3A_280, %add3A_281 : i32
      %dma_wait3A_283 = arith.constant 0 : i32
      %dma_wait3A_284 = tpu.memref_slice %arg6[%add3A_282, %dma_wait3A_283] : memref<80x128xi32, #tpu.memory_space<vmem>> -> memref<1x128xi32, #tpu.memory_space<vmem>>
      %dma_wait3A_285 = tpu.memref_squeeze %dma_wait3A_284 : memref<1x128xi32, #tpu.memory_space<vmem>> -> memref<128xi32, #tpu.memory_space<vmem>>
      %dma_wait3A_286 = arith.constant 0 : i32
      %dma_wait3A_287 = arith.constant 0 : i32
      %dma_wait3A_288 = tpu.memref_slice %arg4[%dma_wait3A_286, %dma_wait3A_287] : memref<1000000x64xf32, #tpu.memory_space<hbm>> -> memref<1000000x64xf32, #tpu.memory_space<hbm>>
      tpu.wait_indirect_dma semaphore(%arg19 : memref<!tpu.dma_semaphore, #tpu.memory_space<semaphore_mem>>) src(%dma_wait3A_288 : memref<1000000x64xf32, #tpu.memory_space<hbm>>) dst(%arg11 : memref<128x64xf32, #tpu.memory_space<vmem>>)
      %dma_start3A_289 = arith.constant 0 : i32
      %dma_start3A_290 = tpu.memref_slice %arg7[%add3A_282, %dma_start3A_289] : memref<80x128xi32, #tpu.memory_space<vmem>> -> memref<1x128xi32, #tpu.memory_space<vmem>>
      %dma_start3A_291 = tpu.memref_squeeze %dma_start3A_290 : memref<1x128xi32, #tpu.memory_space<vmem>> -> memref<128xi32, #tpu.memory_space<vmem>>
      %dma_start3A_292 = arith.constant 0 : i32
      %dma_start3A_293 = arith.constant 0 : i32
      %dma_start3A_294 = tpu.memref_slice %arg5[%dma_start3A_292, %dma_start3A_293] : memref<786432x64xf32, #tpu.memory_space<hbm>> -> memref<786432x64xf32, #tpu.memory_space<hbm>>
      tpu.enqueue_indirect_dma source(%arg11 : memref<128x64xf32, #tpu.memory_space<vmem>>) target(%dma_start3A_294 : memref<786432x64xf32, #tpu.memory_space<hbm>>) offsets(%dma_start3A_291 : memref<128xi32, #tpu.memory_space<vmem>>) semaphore(%arg27 : memref<!tpu.dma_semaphore, #tpu.memory_space<semaphore_mem>>)
      %mul3A_295 = arith.constant 8 : i32
      %mul3A_296 = arith.muli %scan3A_230, %mul3A_295 : i32
      %add3A_297 = arith.constant 4 : i32
      %add3A_298 = arith.addi %mul3A_296, %add3A_297 : i32
      %dma_wait3A_299 = arith.constant 0 : i32
      %dma_wait3A_300 = tpu.memref_slice %arg6[%add3A_298, %dma_wait3A_299] : memref<80x128xi32, #tpu.memory_space<vmem>> -> memref<1x128xi32, #tpu.memory_space<vmem>>
      %dma_wait3A_301 = tpu.memref_squeeze %dma_wait3A_300 : memref<1x128xi32, #tpu.memory_space<vmem>> -> memref<128xi32, #tpu.memory_space<vmem>>
      %dma_wait3A_302 = arith.constant 0 : i32
      %dma_wait3A_303 = arith.constant 0 : i32
      %dma_wait3A_304 = tpu.memref_slice %arg4[%dma_wait3A_302, %dma_wait3A_303] : memref<1000000x64xf32, #tpu.memory_space<hbm>> -> memref<1000000x64xf32, #tpu.memory_space<hbm>>
      tpu.wait_indirect_dma semaphore(%arg20 : memref<!tpu.dma_semaphore, #tpu.memory_space<semaphore_mem>>) src(%dma_wait3A_304 : memref<1000000x64xf32, #tpu.memory_space<hbm>>) dst(%arg12 : memref<128x64xf32, #tpu.memory_space<vmem>>)
      %dma_start3A_305 = arith.constant 0 : i32
      %dma_start3A_306 = tpu.memref_slice %arg7[%add3A_298, %dma_start3A_305] : memref<80x128xi32, #tpu.memory_space<vmem>> -> memref<1x128xi32, #tpu.memory_space<vmem>>
      %dma_start3A_307 = tpu.memref_squeeze %dma_start3A_306 : memref<1x128xi32, #tpu.memory_space<vmem>> -> memref<128xi32, #tpu.memory_space<vmem>>
      %dma_start3A_308 = arith.constant 0 : i32
      %dma_start3A_309 = arith.constant 0 : i32
      %dma_start3A_310 = tpu.memref_slice %arg5[%dma_start3A_308, %dma_start3A_309] : memref<786432x64xf32, #tpu.memory_space<hbm>> -> memref<786432x64xf32, #tpu.memory_space<hbm>>
      tpu.enqueue_indirect_dma source(%arg12 : memref<128x64xf32, #tpu.memory_space<vmem>>) target(%dma_start3A_310 : memref<786432x64xf32, #tpu.memory_space<hbm>>) offsets(%dma_start3A_307 : memref<128xi32, #tpu.memory_space<vmem>>) semaphore(%arg28 : memref<!tpu.dma_semaphore, #tpu.memory_space<semaphore_mem>>)
      %mul3A_311 = arith.constant 8 : i32
      %mul3A_312 = arith.muli %scan3A_230, %mul3A_311 : i32
      %add3A_313 = arith.constant 5 : i32
      %add3A_314 = arith.addi %mul3A_312, %add3A_313 : i32
      %dma_wait3A_315 = arith.constant 0 : i32
      %dma_wait3A_316 = tpu.memref_slice %arg6[%add3A_314, %dma_wait3A_315] : memref<80x128xi32, #tpu.memory_space<vmem>> -> memref<1x128xi32, #tpu.memory_space<vmem>>
      %dma_wait3A_317 = tpu.memref_squeeze %dma_wait3A_316 : memref<1x128xi32, #tpu.memory_space<vmem>> -> memref<128xi32, #tpu.memory_space<vmem>>
      %dma_wait3A_318 = arith.constant 0 : i32
      %dma_wait3A_319 = arith.constant 0 : i32
      %dma_wait3A_320 = tpu.memref_slice %arg4[%dma_wait3A_318, %dma_wait3A_319] : memref<1000000x64xf32, #tpu.memory_space<hbm>> -> memref<1000000x64xf32, #tpu.memory_space<hbm>>
      tpu.wait_indirect_dma semaphore(%arg21 : memref<!tpu.dma_semaphore, #tpu.memory_space<semaphore_mem>>) src(%dma_wait3A_320 : memref<1000000x64xf32, #tpu.memory_space<hbm>>) dst(%arg13 : memref<128x64xf32, #tpu.memory_space<vmem>>)
      %dma_start3A_321 = arith.constant 0 : i32
      %dma_start3A_322 = tpu.memref_slice %arg7[%add3A_314, %dma_start3A_321] : memref<80x128xi32, #tpu.memory_space<vmem>> -> memref<1x128xi32, #tpu.memory_space<vmem>>
      %dma_start3A_323 = tpu.memref_squeeze %dma_start3A_322 : memref<1x128xi32, #tpu.memory_space<vmem>> -> memref<128xi32, #tpu.memory_space<vmem>>
      %dma_start3A_324 = arith.constant 0 : i32
      %dma_start3A_325 = arith.constant 0 : i32
      %dma_start3A_326 = tpu.memref_slice %arg5[%dma_start3A_324, %dma_start3A_325] : memref<786432x64xf32, #tpu.memory_space<hbm>> -> memref<786432x64xf32, #tpu.memory_space<hbm>>
      tpu.enqueue_indirect_dma source(%arg13 : memref<128x64xf32, #tpu.memory_space<vmem>>) target(%dma_start3A_326 : memref<786432x64xf32, #tpu.memory_space<hbm>>) offsets(%dma_start3A_323 : memref<128xi32, #tpu.memory_space<vmem>>) semaphore(%arg29 : memref<!tpu.dma_semaphore, #tpu.memory_space<semaphore_mem>>)
      %mul3A_327 = arith.constant 8 : i32
      %mul3A_328 = arith.muli %scan3A_230, %mul3A_327 : i32
      %add3A_329 = arith.constant 6 : i32
      %add3A_330 = arith.addi %mul3A_328, %add3A_329 : i32
      %dma_wait3A_331 = arith.constant 0 : i32
      %dma_wait3A_332 = tpu.memref_slice %arg6[%add3A_330, %dma_wait3A_331] : memref<80x128xi32, #tpu.memory_space<vmem>> -> memref<1x128xi32, #tpu.memory_space<vmem>>
      %dma_wait3A_333 = tpu.memref_squeeze %dma_wait3A_332 : memref<1x128xi32, #tpu.memory_space<vmem>> -> memref<128xi32, #tpu.memory_space<vmem>>
      %dma_wait3A_334 = arith.constant 0 : i32
      %dma_wait3A_335 = arith.constant 0 : i32
      %dma_wait3A_336 = tpu.memref_slice %arg4[%dma_wait3A_334, %dma_wait3A_335] : memref<1000000x64xf32, #tpu.memory_space<hbm>> -> memref<1000000x64xf32, #tpu.memory_space<hbm>>
      tpu.wait_indirect_dma semaphore(%arg22 : memref<!tpu.dma_semaphore, #tpu.memory_space<semaphore_mem>>) src(%dma_wait3A_336 : memref<1000000x64xf32, #tpu.memory_space<hbm>>) dst(%arg14 : memref<128x64xf32, #tpu.memory_space<vmem>>)
      %dma_start3A_337 = arith.constant 0 : i32
      %dma_start3A_338 = tpu.memref_slice %arg7[%add3A_330, %dma_start3A_337] : memref<80x128xi32, #tpu.memory_space<vmem>> -> memref<1x128xi32, #tpu.memory_space<vmem>>
      %dma_start3A_339 = tpu.memref_squeeze %dma_start3A_338 : memref<1x128xi32, #tpu.memory_space<vmem>> -> memref<128xi32, #tpu.memory_space<vmem>>
      %dma_start3A_340 = arith.constant 0 : i32
      %dma_start3A_341 = arith.constant 0 : i32
      %dma_start3A_342 = tpu.memref_slice %arg5[%dma_start3A_340, %dma_start3A_341] : memref<786432x64xf32, #tpu.memory_space<hbm>> -> memref<786432x64xf32, #tpu.memory_space<hbm>>
      tpu.enqueue_indirect_dma source(%arg14 : memref<128x64xf32, #tpu.memory_space<vmem>>) target(%dma_start3A_342 : memref<786432x64xf32, #tpu.memory_space<hbm>>) offsets(%dma_start3A_339 : memref<128xi32, #tpu.memory_space<vmem>>) semaphore(%arg30 : memref<!tpu.dma_semaphore, #tpu.memory_space<semaphore_mem>>)
      %mul3A_343 = arith.constant 8 : i32
      %mul3A_344 = arith.muli %scan3A_230, %mul3A_343 : i32
      %add3A_345 = arith.constant 7 : i32
      %add3A_346 = arith.addi %mul3A_344, %add3A_345 : i32
      %dma_wait3A_347 = arith.constant 0 : i32
      %dma_wait3A_348 = tpu.memref_slice %arg6[%add3A_346, %dma_wait3A_347] : memref<80x128xi32, #tpu.memory_space<vmem>> -> memref<1x128xi32, #tpu.memory_space<vmem>>
      %dma_wait3A_349 = tpu.memref_squeeze %dma_wait3A_348 : memref<1x128xi32, #tpu.memory_space<vmem>> -> memref<128xi32, #tpu.memory_space<vmem>>
      %dma_wait3A_350 = arith.constant 0 : i32
      %dma_wait3A_351 = arith.constant 0 : i32
      %dma_wait3A_352 = tpu.memref_slice %arg4[%dma_wait3A_350, %dma_wait3A_351] : memref<1000000x64xf32, #tpu.memory_space<hbm>> -> memref<1000000x64xf32, #tpu.memory_space<hbm>>
      tpu.wait_indirect_dma semaphore(%arg23 : memref<!tpu.dma_semaphore, #tpu.memory_space<semaphore_mem>>) src(%dma_wait3A_352 : memref<1000000x64xf32, #tpu.memory_space<hbm>>) dst(%arg15 : memref<128x64xf32, #tpu.memory_space<vmem>>)
      %dma_start3A_353 = arith.constant 0 : i32
      %dma_start3A_354 = tpu.memref_slice %arg7[%add3A_346, %dma_start3A_353] : memref<80x128xi32, #tpu.memory_space<vmem>> -> memref<1x128xi32, #tpu.memory_space<vmem>>
      %dma_start3A_355 = tpu.memref_squeeze %dma_start3A_354 : memref<1x128xi32, #tpu.memory_space<vmem>> -> memref<128xi32, #tpu.memory_space<vmem>>
      %dma_start3A_356 = arith.constant 0 : i32
      %dma_start3A_357 = arith.constant 0 : i32
      %dma_start3A_358 = tpu.memref_slice %arg5[%dma_start3A_356, %dma_start3A_357] : memref<786432x64xf32, #tpu.memory_space<hbm>> -> memref<786432x64xf32, #tpu.memory_space<hbm>>
      tpu.enqueue_indirect_dma source(%arg15 : memref<128x64xf32, #tpu.memory_space<vmem>>) target(%dma_start3A_358 : memref<786432x64xf32, #tpu.memory_space<hbm>>) offsets(%dma_start3A_355 : memref<128xi32, #tpu.memory_space<vmem>>) semaphore(%arg31 : memref<!tpu.dma_semaphore, #tpu.memory_space<semaphore_mem>>)
      %mul3A_359 = arith.constant 8 : i32
      %mul3A_360 = arith.muli %scan3A_230, %mul3A_359 : i32
      %add3A_361 = arith.constant 0 : i32
      %add3A_362 = arith.addi %mul3A_360, %add3A_361 : i32
      %dma_wait3A_363 = arith.constant 0 : i32
      %dma_wait3A_364 = tpu.memref_slice %arg7[%add3A_362, %dma_wait3A_363] : memref<80x128xi32, #tpu.memory_space<vmem>> -> memref<1x128xi32, #tpu.memory_space<vmem>>
      %dma_wait3A_365 = tpu.memref_squeeze %dma_wait3A_364 : memref<1x128xi32, #tpu.memory_space<vmem>> -> memref<128xi32, #tpu.memory_space<vmem>>
      %dma_wait3A_366 = arith.constant 0 : i32
      %dma_wait3A_367 = arith.constant 0 : i32
      %dma_wait3A_368 = tpu.memref_slice %arg5[%dma_wait3A_366, %dma_wait3A_367] : memref<786432x64xf32, #tpu.memory_space<hbm>> -> memref<786432x64xf32, #tpu.memory_space<hbm>>
      tpu.wait_indirect_dma semaphore(%arg24 : memref<!tpu.dma_semaphore, #tpu.memory_space<semaphore_mem>>) src(%arg8 : memref<128x64xf32, #tpu.memory_space<vmem>>) dst(%dma_wait3A_368 : memref<786432x64xf32, #tpu.memory_space<hbm>>)
      %add3A_369 = arith.constant 8 : i32
      %add3A_370 = arith.addi %add3A_362, %add3A_369 : i32
      %dma_start3A_371 = arith.constant 0 : i32
      %dma_start3A_372 = tpu.memref_slice %arg6[%add3A_370, %dma_start3A_371] : memref<80x128xi32, #tpu.memory_space<vmem>> -> memref<1x128xi32, #tpu.memory_space<vmem>>
      %dma_start3A_373 = tpu.memref_squeeze %dma_start3A_372 : memref<1x128xi32, #tpu.memory_space<vmem>> -> memref<128xi32, #tpu.memory_space<vmem>>
      %dma_start3A_374 = arith.constant 0 : i32
      %dma_start3A_375 = arith.constant 0 : i32
      %dma_start3A_376 = tpu.memref_slice %arg4[%dma_start3A_374, %dma_start3A_375] : memref<1000000x64xf32, #tpu.memory_space<hbm>> -> memref<1000000x64xf32, #tpu.memory_space<hbm>>
      tpu.enqueue_indirect_dma source(%dma_start3A_376 : memref<1000000x64xf32, #tpu.memory_space<hbm>>) target(%arg8 : memref<128x64xf32, #tpu.memory_space<vmem>>) offsets(%dma_start3A_373 : memref<128xi32, #tpu.memory_space<vmem>>) semaphore(%arg16 : memref<!tpu.dma_semaphore, #tpu.memory_space<semaphore_mem>>)
      %mul3A_377 = arith.constant 8 : i32
      %mul3A_378 = arith.muli %scan3A_230, %mul3A_377 : i32
      %add3A_379 = arith.constant 1 : i32
      %add3A_380 = arith.addi %mul3A_378, %add3A_379 : i32
      %dma_wait3A_381 = arith.constant 0 : i32
      %dma_wait3A_382 = tpu.memref_slice %arg7[%add3A_380, %dma_wait3A_381] : memref<80x128xi32, #tpu.memory_space<vmem>> -> memref<1x128xi32, #tpu.memory_space<vmem>>
      %dma_wait3A_383 = tpu.memref_squeeze %dma_wait3A_382 : memref<1x128xi32, #tpu.memory_space<vmem>> -> memref<128xi32, #tpu.memory_space<vmem>>
      %dma_wait3A_384 = arith.constant 0 : i32
      %dma_wait3A_385 = arith.constant 0 : i32
      %dma_wait3A_386 = tpu.memref_slice %arg5[%dma_wait3A_384, %dma_wait3A_385] : memref<786432x64xf32, #tpu.memory_space<hbm>> -> memref<786432x64xf32, #tpu.memory_space<hbm>>
      tpu.wait_indirect_dma semaphore(%arg25 : memref<!tpu.dma_semaphore, #tpu.memory_space<semaphore_mem>>) src(%arg9 : memref<128x64xf32, #tpu.memory_space<vmem>>) dst(%dma_wait3A_386 : memref<786432x64xf32, #tpu.memory_space<hbm>>)
      %add3A_387 = arith.constant 8 : i32
      %add3A_388 = arith.addi %add3A_380, %add3A_387 : i32
      %dma_start3A_389 = arith.constant 0 : i32
      %dma_start3A_390 = tpu.memref_slice %arg6[%add3A_388, %dma_start3A_389] : memref<80x128xi32, #tpu.memory_space<vmem>> -> memref<1x128xi32, #tpu.memory_space<vmem>>
      %dma_start3A_391 = tpu.memref_squeeze %dma_start3A_390 : memref<1x128xi32, #tpu.memory_space<vmem>> -> memref<128xi32, #tpu.memory_space<vmem>>
      %dma_start3A_392 = arith.constant 0 : i32
      %dma_start3A_393 = arith.constant 0 : i32
      %dma_start3A_394 = tpu.memref_slice %arg4[%dma_start3A_392, %dma_start3A_393] : memref<1000000x64xf32, #tpu.memory_space<hbm>> -> memref<1000000x64xf32, #tpu.memory_space<hbm>>
      tpu.enqueue_indirect_dma source(%dma_start3A_394 : memref<1000000x64xf32, #tpu.memory_space<hbm>>) target(%arg9 : memref<128x64xf32, #tpu.memory_space<vmem>>) offsets(%dma_start3A_391 : memref<128xi32, #tpu.memory_space<vmem>>) semaphore(%arg17 : memref<!tpu.dma_semaphore, #tpu.memory_space<semaphore_mem>>)
      %mul3A_395 = arith.constant 8 : i32
      %mul3A_396 = arith.muli %scan3A_230, %mul3A_395 : i32
      %add3A_397 = arith.constant 2 : i32
      %add3A_398 = arith.addi %mul3A_396, %add3A_397 : i32
      %dma_wait3A_399 = arith.constant 0 : i32
      %dma_wait3A_400 = tpu.memref_slice %arg7[%add3A_398, %dma_wait3A_399] : memref<80x128xi32, #tpu.memory_space<vmem>> -> memref<1x128xi32, #tpu.memory_space<vmem>>
      %dma_wait3A_401 = tpu.memref_squeeze %dma_wait3A_400 : memref<1x128xi32, #tpu.memory_space<vmem>> -> memref<128xi32, #tpu.memory_space<vmem>>
      %dma_wait3A_402 = arith.constant 0 : i32
      %dma_wait3A_403 = arith.constant 0 : i32
      %dma_wait3A_404 = tpu.memref_slice %arg5[%dma_wait3A_402, %dma_wait3A_403] : memref<786432x64xf32, #tpu.memory_space<hbm>> -> memref<786432x64xf32, #tpu.memory_space<hbm>>
      tpu.wait_indirect_dma semaphore(%arg26 : memref<!tpu.dma_semaphore, #tpu.memory_space<semaphore_mem>>) src(%arg10 : memref<128x64xf32, #tpu.memory_space<vmem>>) dst(%dma_wait3A_404 : memref<786432x64xf32, #tpu.memory_space<hbm>>)
      %add3A_405 = arith.constant 8 : i32
      %add3A_406 = arith.addi %add3A_398, %add3A_405 : i32
      %dma_start3A_407 = arith.constant 0 : i32
      %dma_start3A_408 = tpu.memref_slice %arg6[%add3A_406, %dma_start3A_407] : memref<80x128xi32, #tpu.memory_space<vmem>> -> memref<1x128xi32, #tpu.memory_space<vmem>>
      %dma_start3A_409 = tpu.memref_squeeze %dma_start3A_408 : memref<1x128xi32, #tpu.memory_space<vmem>> -> memref<128xi32, #tpu.memory_space<vmem>>
      %dma_start3A_410 = arith.constant 0 : i32
      %dma_start3A_411 = arith.constant 0 : i32
      %dma_start3A_412 = tpu.memref_slice %arg4[%dma_start3A_410, %dma_start3A_411] : memref<1000000x64xf32, #tpu.memory_space<hbm>> -> memref<1000000x64xf32, #tpu.memory_space<hbm>>
      tpu.enqueue_indirect_dma source(%dma_start3A_412 : memref<1000000x64xf32, #tpu.memory_space<hbm>>) target(%arg10 : memref<128x64xf32, #tpu.memory_space<vmem>>) offsets(%dma_start3A_409 : memref<128xi32, #tpu.memory_space<vmem>>) semaphore(%arg18 : memref<!tpu.dma_semaphore, #tpu.memory_space<semaphore_mem>>)
      %mul3A_413 = arith.constant 8 : i32
      %mul3A_414 = arith.muli %scan3A_230, %mul3A_413 : i32
      %add3A_415 = arith.constant 3 : i32
      %add3A_416 = arith.addi %mul3A_414, %add3A_415 : i32
      %dma_wait3A_417 = arith.constant 0 : i32
      %dma_wait3A_418 = tpu.memref_slice %arg7[%add3A_416, %dma_wait3A_417] : memref<80x128xi32, #tpu.memory_space<vmem>> -> memref<1x128xi32, #tpu.memory_space<vmem>>
      %dma_wait3A_419 = tpu.memref_squeeze %dma_wait3A_418 : memref<1x128xi32, #tpu.memory_space<vmem>> -> memref<128xi32, #tpu.memory_space<vmem>>
      %dma_wait3A_420 = arith.constant 0 : i32
      %dma_wait3A_421 = arith.constant 0 : i32
      %dma_wait3A_422 = tpu.memref_slice %arg5[%dma_wait3A_420, %dma_wait3A_421] : memref<786432x64xf32, #tpu.memory_space<hbm>> -> memref<786432x64xf32, #tpu.memory_space<hbm>>
      tpu.wait_indirect_dma semaphore(%arg27 : memref<!tpu.dma_semaphore, #tpu.memory_space<semaphore_mem>>) src(%arg11 : memref<128x64xf32, #tpu.memory_space<vmem>>) dst(%dma_wait3A_422 : memref<786432x64xf32, #tpu.memory_space<hbm>>)
      %add3A_423 = arith.constant 8 : i32
      %add3A_424 = arith.addi %add3A_416, %add3A_423 : i32
      %dma_start3A_425 = arith.constant 0 : i32
      %dma_start3A_426 = tpu.memref_slice %arg6[%add3A_424, %dma_start3A_425] : memref<80x128xi32, #tpu.memory_space<vmem>> -> memref<1x128xi32, #tpu.memory_space<vmem>>
      %dma_start3A_427 = tpu.memref_squeeze %dma_start3A_426 : memref<1x128xi32, #tpu.memory_space<vmem>> -> memref<128xi32, #tpu.memory_space<vmem>>
      %dma_start3A_428 = arith.constant 0 : i32
      %dma_start3A_429 = arith.constant 0 : i32
      %dma_start3A_430 = tpu.memref_slice %arg4[%dma_start3A_428, %dma_start3A_429] : memref<1000000x64xf32, #tpu.memory_space<hbm>> -> memref<1000000x64xf32, #tpu.memory_space<hbm>>
      tpu.enqueue_indirect_dma source(%dma_start3A_430 : memref<1000000x64xf32, #tpu.memory_space<hbm>>) target(%arg11 : memref<128x64xf32, #tpu.memory_space<vmem>>) offsets(%dma_start3A_427 : memref<128xi32, #tpu.memory_space<vmem>>) semaphore(%arg19 : memref<!tpu.dma_semaphore, #tpu.memory_space<semaphore_mem>>)
      %mul3A_431 = arith.constant 8 : i32
      %mul3A_432 = arith.muli %scan3A_230, %mul3A_431 : i32
      %add3A_433 = arith.constant 4 : i32
      %add3A_434 = arith.addi %mul3A_432, %add3A_433 : i32
      %dma_wait3A_435 = arith.constant 0 : i32
      %dma_wait3A_436 = tpu.memref_slice %arg7[%add3A_434, %dma_wait3A_435] : memref<80x128xi32, #tpu.memory_space<vmem>> -> memref<1x128xi32, #tpu.memory_space<vmem>>
      %dma_wait3A_437 = tpu.memref_squeeze %dma_wait3A_436 : memref<1x128xi32, #tpu.memory_space<vmem>> -> memref<128xi32, #tpu.memory_space<vmem>>
      %dma_wait3A_438 = arith.constant 0 : i32
      %dma_wait3A_439 = arith.constant 0 : i32
      %dma_wait3A_440 = tpu.memref_slice %arg5[%dma_wait3A_438, %dma_wait3A_439] : memref<786432x64xf32, #tpu.memory_space<hbm>> -> memref<786432x64xf32, #tpu.memory_space<hbm>>
      tpu.wait_indirect_dma semaphore(%arg28 : memref<!tpu.dma_semaphore, #tpu.memory_space<semaphore_mem>>) src(%arg12 : memref<128x64xf32, #tpu.memory_space<vmem>>) dst(%dma_wait3A_440 : memref<786432x64xf32, #tpu.memory_space<hbm>>)
      %add3A_441 = arith.constant 8 : i32
      %add3A_442 = arith.addi %add3A_434, %add3A_441 : i32
      %dma_start3A_443 = arith.constant 0 : i32
      %dma_start3A_444 = tpu.memref_slice %arg6[%add3A_442, %dma_start3A_443] : memref<80x128xi32, #tpu.memory_space<vmem>> -> memref<1x128xi32, #tpu.memory_space<vmem>>
      %dma_start3A_445 = tpu.memref_squeeze %dma_start3A_444 : memref<1x128xi32, #tpu.memory_space<vmem>> -> memref<128xi32, #tpu.memory_space<vmem>>
      %dma_start3A_446 = arith.constant 0 : i32
      %dma_start3A_447 = arith.constant 0 : i32
      %dma_start3A_448 = tpu.memref_slice %arg4[%dma_start3A_446, %dma_start3A_447] : memref<1000000x64xf32, #tpu.memory_space<hbm>> -> memref<1000000x64xf32, #tpu.memory_space<hbm>>
      tpu.enqueue_indirect_dma source(%dma_start3A_448 : memref<1000000x64xf32, #tpu.memory_space<hbm>>) target(%arg12 : memref<128x64xf32, #tpu.memory_space<vmem>>) offsets(%dma_start3A_445 : memref<128xi32, #tpu.memory_space<vmem>>) semaphore(%arg20 : memref<!tpu.dma_semaphore, #tpu.memory_space<semaphore_mem>>)
      %mul3A_449 = arith.constant 8 : i32
      %mul3A_450 = arith.muli %scan3A_230, %mul3A_449 : i32
      %add3A_451 = arith.constant 5 : i32
      %add3A_452 = arith.addi %mul3A_450, %add3A_451 : i32
      %dma_wait3A_453 = arith.constant 0 : i32
      %dma_wait3A_454 = tpu.memref_slice %arg7[%add3A_452, %dma_wait3A_453] : memref<80x128xi32, #tpu.memory_space<vmem>> -> memref<1x128xi32, #tpu.memory_space<vmem>>
      %dma_wait3A_455 = tpu.memref_squeeze %dma_wait3A_454 : memref<1x128xi32, #tpu.memory_space<vmem>> -> memref<128xi32, #tpu.memory_space<vmem>>
      %dma_wait3A_456 = arith.constant 0 : i32
      %dma_wait3A_457 = arith.constant 0 : i32
      %dma_wait3A_458 = tpu.memref_slice %arg5[%dma_wait3A_456, %dma_wait3A_457] : memref<786432x64xf32, #tpu.memory_space<hbm>> -> memref<786432x64xf32, #tpu.memory_space<hbm>>
      tpu.wait_indirect_dma semaphore(%arg29 : memref<!tpu.dma_semaphore, #tpu.memory_space<semaphore_mem>>) src(%arg13 : memref<128x64xf32, #tpu.memory_space<vmem>>) dst(%dma_wait3A_458 : memref<786432x64xf32, #tpu.memory_space<hbm>>)
      %add3A_459 = arith.constant 8 : i32
      %add3A_460 = arith.addi %add3A_452, %add3A_459 : i32
      %dma_start3A_461 = arith.constant 0 : i32
      %dma_start3A_462 = tpu.memref_slice %arg6[%add3A_460, %dma_start3A_461] : memref<80x128xi32, #tpu.memory_space<vmem>> -> memref<1x128xi32, #tpu.memory_space<vmem>>
      %dma_start3A_463 = tpu.memref_squeeze %dma_start3A_462 : memref<1x128xi32, #tpu.memory_space<vmem>> -> memref<128xi32, #tpu.memory_space<vmem>>
      %dma_start3A_464 = arith.constant 0 : i32
      %dma_start3A_465 = arith.constant 0 : i32
      %dma_start3A_466 = tpu.memref_slice %arg4[%dma_start3A_464, %dma_start3A_465] : memref<1000000x64xf32, #tpu.memory_space<hbm>> -> memref<1000000x64xf32, #tpu.memory_space<hbm>>
      tpu.enqueue_indirect_dma source(%dma_start3A_466 : memref<1000000x64xf32, #tpu.memory_space<hbm>>) target(%arg13 : memref<128x64xf32, #tpu.memory_space<vmem>>) offsets(%dma_start3A_463 : memref<128xi32, #tpu.memory_space<vmem>>) semaphore(%arg21 : memref<!tpu.dma_semaphore, #tpu.memory_space<semaphore_mem>>)
      %mul3A_467 = arith.constant 8 : i32
      %mul3A_468 = arith.muli %scan3A_230, %mul3A_467 : i32
      %add3A_469 = arith.constant 6 : i32
      %add3A_470 = arith.addi %mul3A_468, %add3A_469 : i32
      %dma_wait3A_471 = arith.constant 0 : i32
      %dma_wait3A_472 = tpu.memref_slice %arg7[%add3A_470, %dma_wait3A_471] : memref<80x128xi32, #tpu.memory_space<vmem>> -> memref<1x128xi32, #tpu.memory_space<vmem>>
      %dma_wait3A_473 = tpu.memref_squeeze %dma_wait3A_472 : memref<1x128xi32, #tpu.memory_space<vmem>> -> memref<128xi32, #tpu.memory_space<vmem>>
      %dma_wait3A_474 = arith.constant 0 : i32
      %dma_wait3A_475 = arith.constant 0 : i32
      %dma_wait3A_476 = tpu.memref_slice %arg5[%dma_wait3A_474, %dma_wait3A_475] : memref<786432x64xf32, #tpu.memory_space<hbm>> -> memref<786432x64xf32, #tpu.memory_space<hbm>>
      tpu.wait_indirect_dma semaphore(%arg30 : memref<!tpu.dma_semaphore, #tpu.memory_space<semaphore_mem>>) src(%arg14 : memref<128x64xf32, #tpu.memory_space<vmem>>) dst(%dma_wait3A_476 : memref<786432x64xf32, #tpu.memory_space<hbm>>)
      %add3A_477 = arith.constant 8 : i32
      %add3A_478 = arith.addi %add3A_470, %add3A_477 : i32
      %dma_start3A_479 = arith.constant 0 : i32
      %dma_start3A_480 = tpu.memref_slice %arg6[%add3A_478, %dma_start3A_479] : memref<80x128xi32, #tpu.memory_space<vmem>> -> memref<1x128xi32, #tpu.memory_space<vmem>>
      %dma_start3A_481 = tpu.memref_squeeze %dma_start3A_480 : memref<1x128xi32, #tpu.memory_space<vmem>> -> memref<128xi32, #tpu.memory_space<vmem>>
      %dma_start3A_482 = arith.constant 0 : i32
      %dma_start3A_483 = arith.constant 0 : i32
      %dma_start3A_484 = tpu.memref_slice %arg4[%dma_start3A_482, %dma_start3A_483] : memref<1000000x64xf32, #tpu.memory_space<hbm>> -> memref<1000000x64xf32, #tpu.memory_space<hbm>>
      tpu.enqueue_indirect_dma source(%dma_start3A_484 : memref<1000000x64xf32, #tpu.memory_space<hbm>>) target(%arg14 : memref<128x64xf32, #tpu.memory_space<vmem>>) offsets(%dma_start3A_481 : memref<128xi32, #tpu.memory_space<vmem>>) semaphore(%arg22 : memref<!tpu.dma_semaphore, #tpu.memory_space<semaphore_mem>>)
      %mul3A_485 = arith.constant 8 : i32
      %mul3A_486 = arith.muli %scan3A_230, %mul3A_485 : i32
      %add3A_487 = arith.constant 7 : i32
      %add3A_488 = arith.addi %mul3A_486, %add3A_487 : i32
      %dma_wait3A_489 = arith.constant 0 : i32
      %dma_wait3A_490 = tpu.memref_slice %arg7[%add3A_488, %dma_wait3A_489] : memref<80x128xi32, #tpu.memory_space<vmem>> -> memref<1x128xi32, #tpu.memory_space<vmem>>
      %dma_wait3A_491 = tpu.memref_squeeze %dma_wait3A_490 : memref<1x128xi32, #tpu.memory_space<vmem>> -> memref<128xi32, #tpu.memory_space<vmem>>
      %dma_wait3A_492 = arith.constant 0 : i32
      %dma_wait3A_493 = arith.constant 0 : i32
      %dma_wait3A_494 = tpu.memref_slice %arg5[%dma_wait3A_492, %dma_wait3A_493] : memref<786432x64xf32, #tpu.memory_space<hbm>> -> memref<786432x64xf32, #tpu.memory_space<hbm>>
      tpu.wait_indirect_dma semaphore(%arg31 : memref<!tpu.dma_semaphore, #tpu.memory_space<semaphore_mem>>) src(%arg15 : memref<128x64xf32, #tpu.memory_space<vmem>>) dst(%dma_wait3A_494 : memref<786432x64xf32, #tpu.memory_space<hbm>>)
      %add3A_495 = arith.constant 8 : i32
      %add3A_496 = arith.addi %add3A_488, %add3A_495 : i32
      %dma_start3A_497 = arith.constant 0 : i32
      %dma_start3A_498 = tpu.memref_slice %arg6[%add3A_496, %dma_start3A_497] : memref<80x128xi32, #tpu.memory_space<vmem>> -> memref<1x128xi32, #tpu.memory_space<vmem>>
      %dma_start3A_499 = tpu.memref_squeeze %dma_start3A_498 : memref<1x128xi32, #tpu.memory_space<vmem>> -> memref<128xi32, #tpu.memory_space<vmem>>
      %dma_start3A_500 = arith.constant 0 : i32
      %dma_start3A_501 = arith.constant 0 : i32
      %dma_start3A_502 = tpu.memref_slice %arg4[%dma_start3A_500, %dma_start3A_501] : memref<1000000x64xf32, #tpu.memory_space<hbm>> -> memref<1000000x64xf32, #tpu.memory_space<hbm>>
      tpu.enqueue_indirect_dma source(%dma_start3A_502 : memref<1000000x64xf32, #tpu.memory_space<hbm>>) target(%arg15 : memref<128x64xf32, #tpu.memory_space<vmem>>) offsets(%dma_start3A_499 : memref<128xi32, #tpu.memory_space<vmem>>) semaphore(%arg23 : memref<!tpu.dma_semaphore, #tpu.memory_space<semaphore_mem>>)
    }
    %scan3A_62 = arith.constant 9 : i32
    %dma_wait3A = arith.constant 72 : i32
    %dma_wait3A_63 = arith.constant 0 : i32
    %dma_wait3A_64 = tpu.memref_slice %arg6[%dma_wait3A, %dma_wait3A_63] : memref<80x128xi32, #tpu.memory_space<vmem>> -> memref<1x128xi32, #tpu.memory_space<vmem>>
    %dma_wait3A_65 = tpu.memref_squeeze %dma_wait3A_64 : memref<1x128xi32, #tpu.memory_space<vmem>> -> memref<128xi32, #tpu.memory_space<vmem>>
    %dma_wait3A_66 = arith.constant 0 : i32
    %dma_wait3A_67 = arith.constant 0 : i32
    %dma_wait3A_68 = tpu.memref_slice %arg4[%dma_wait3A_66, %dma_wait3A_67] : memref<1000000x64xf32, #tpu.memory_space<hbm>> -> memref<1000000x64xf32, #tpu.memory_space<hbm>>
    tpu.wait_indirect_dma semaphore(%arg16 : memref<!tpu.dma_semaphore, #tpu.memory_space<semaphore_mem>>) src(%dma_wait3A_68 : memref<1000000x64xf32, #tpu.memory_space<hbm>>) dst(%arg8 : memref<128x64xf32, #tpu.memory_space<vmem>>)
    %dma_start3A_69 = arith.constant 72 : i32
    %dma_start3A_70 = arith.constant 0 : i32
    %dma_start3A_71 = tpu.memref_slice %arg7[%dma_start3A_69, %dma_start3A_70] : memref<80x128xi32, #tpu.memory_space<vmem>> -> memref<1x128xi32, #tpu.memory_space<vmem>>
    %dma_start3A_72 = tpu.memref_squeeze %dma_start3A_71 : memref<1x128xi32, #tpu.memory_space<vmem>> -> memref<128xi32, #tpu.memory_space<vmem>>
    %dma_start3A_73 = arith.constant 0 : i32
    %dma_start3A_74 = arith.constant 0 : i32
    %dma_start3A_75 = tpu.memref_slice %arg5[%dma_start3A_73, %dma_start3A_74] : memref<786432x64xf32, #tpu.memory_space<hbm>> -> memref<786432x64xf32, #tpu.memory_space<hbm>>
    tpu.enqueue_indirect_dma source(%arg8 : memref<128x64xf32, #tpu.memory_space<vmem>>) target(%dma_start3A_75 : memref<786432x64xf32, #tpu.memory_space<hbm>>) offsets(%dma_start3A_72 : memref<128xi32, #tpu.memory_space<vmem>>) semaphore(%arg24 : memref<!tpu.dma_semaphore, #tpu.memory_space<semaphore_mem>>)
    %dma_wait3A_76 = arith.constant 73 : i32
    %dma_wait3A_77 = arith.constant 0 : i32
    %dma_wait3A_78 = tpu.memref_slice %arg6[%dma_wait3A_76, %dma_wait3A_77] : memref<80x128xi32, #tpu.memory_space<vmem>> -> memref<1x128xi32, #tpu.memory_space<vmem>>
    %dma_wait3A_79 = tpu.memref_squeeze %dma_wait3A_78 : memref<1x128xi32, #tpu.memory_space<vmem>> -> memref<128xi32, #tpu.memory_space<vmem>>
    %dma_wait3A_80 = arith.constant 0 : i32
    %dma_wait3A_81 = arith.constant 0 : i32
    %dma_wait3A_82 = tpu.memref_slice %arg4[%dma_wait3A_80, %dma_wait3A_81] : memref<1000000x64xf32, #tpu.memory_space<hbm>> -> memref<1000000x64xf32, #tpu.memory_space<hbm>>
    tpu.wait_indirect_dma semaphore(%arg17 : memref<!tpu.dma_semaphore, #tpu.memory_space<semaphore_mem>>) src(%dma_wait3A_82 : memref<1000000x64xf32, #tpu.memory_space<hbm>>) dst(%arg9 : memref<128x64xf32, #tpu.memory_space<vmem>>)
    %dma_start3A_83 = arith.constant 73 : i32
    %dma_start3A_84 = arith.constant 0 : i32
    %dma_start3A_85 = tpu.memref_slice %arg7[%dma_start3A_83, %dma_start3A_84] : memref<80x128xi32, #tpu.memory_space<vmem>> -> memref<1x128xi32, #tpu.memory_space<vmem>>
    %dma_start3A_86 = tpu.memref_squeeze %dma_start3A_85 : memref<1x128xi32, #tpu.memory_space<vmem>> -> memref<128xi32, #tpu.memory_space<vmem>>
    %dma_start3A_87 = arith.constant 0 : i32
    %dma_start3A_88 = arith.constant 0 : i32
    %dma_start3A_89 = tpu.memref_slice %arg5[%dma_start3A_87, %dma_start3A_88] : memref<786432x64xf32, #tpu.memory_space<hbm>> -> memref<786432x64xf32, #tpu.memory_space<hbm>>
    tpu.enqueue_indirect_dma source(%arg9 : memref<128x64xf32, #tpu.memory_space<vmem>>) target(%dma_start3A_89 : memref<786432x64xf32, #tpu.memory_space<hbm>>) offsets(%dma_start3A_86 : memref<128xi32, #tpu.memory_space<vmem>>) semaphore(%arg25 : memref<!tpu.dma_semaphore, #tpu.memory_space<semaphore_mem>>)
    %dma_wait3A_90 = arith.constant 74 : i32
    %dma_wait3A_91 = arith.constant 0 : i32
    %dma_wait3A_92 = tpu.memref_slice %arg6[%dma_wait3A_90, %dma_wait3A_91] : memref<80x128xi32, #tpu.memory_space<vmem>> -> memref<1x128xi32, #tpu.memory_space<vmem>>
    %dma_wait3A_93 = tpu.memref_squeeze %dma_wait3A_92 : memref<1x128xi32, #tpu.memory_space<vmem>> -> memref<128xi32, #tpu.memory_space<vmem>>
    %dma_wait3A_94 = arith.constant 0 : i32
    %dma_wait3A_95 = arith.constant 0 : i32
    %dma_wait3A_96 = tpu.memref_slice %arg4[%dma_wait3A_94, %dma_wait3A_95] : memref<1000000x64xf32, #tpu.memory_space<hbm>> -> memref<1000000x64xf32, #tpu.memory_space<hbm>>
    tpu.wait_indirect_dma semaphore(%arg18 : memref<!tpu.dma_semaphore, #tpu.memory_space<semaphore_mem>>) src(%dma_wait3A_96 : memref<1000000x64xf32, #tpu.memory_space<hbm>>) dst(%arg10 : memref<128x64xf32, #tpu.memory_space<vmem>>)
    %dma_start3A_97 = arith.constant 74 : i32
    %dma_start3A_98 = arith.constant 0 : i32
    %dma_start3A_99 = tpu.memref_slice %arg7[%dma_start3A_97, %dma_start3A_98] : memref<80x128xi32, #tpu.memory_space<vmem>> -> memref<1x128xi32, #tpu.memory_space<vmem>>
    %dma_start3A_100 = tpu.memref_squeeze %dma_start3A_99 : memref<1x128xi32, #tpu.memory_space<vmem>> -> memref<128xi32, #tpu.memory_space<vmem>>
    %dma_start3A_101 = arith.constant 0 : i32
    %dma_start3A_102 = arith.constant 0 : i32
    %dma_start3A_103 = tpu.memref_slice %arg5[%dma_start3A_101, %dma_start3A_102] : memref<786432x64xf32, #tpu.memory_space<hbm>> -> memref<786432x64xf32, #tpu.memory_space<hbm>>
    tpu.enqueue_indirect_dma source(%arg10 : memref<128x64xf32, #tpu.memory_space<vmem>>) target(%dma_start3A_103 : memref<786432x64xf32, #tpu.memory_space<hbm>>) offsets(%dma_start3A_100 : memref<128xi32, #tpu.memory_space<vmem>>) semaphore(%arg26 : memref<!tpu.dma_semaphore, #tpu.memory_space<semaphore_mem>>)
    %dma_wait3A_104 = arith.constant 75 : i32
    %dma_wait3A_105 = arith.constant 0 : i32
    %dma_wait3A_106 = tpu.memref_slice %arg6[%dma_wait3A_104, %dma_wait3A_105] : memref<80x128xi32, #tpu.memory_space<vmem>> -> memref<1x128xi32, #tpu.memory_space<vmem>>
    %dma_wait3A_107 = tpu.memref_squeeze %dma_wait3A_106 : memref<1x128xi32, #tpu.memory_space<vmem>> -> memref<128xi32, #tpu.memory_space<vmem>>
    %dma_wait3A_108 = arith.constant 0 : i32
    %dma_wait3A_109 = arith.constant 0 : i32
    %dma_wait3A_110 = tpu.memref_slice %arg4[%dma_wait3A_108, %dma_wait3A_109] : memref<1000000x64xf32, #tpu.memory_space<hbm>> -> memref<1000000x64xf32, #tpu.memory_space<hbm>>
    tpu.wait_indirect_dma semaphore(%arg19 : memref<!tpu.dma_semaphore, #tpu.memory_space<semaphore_mem>>) src(%dma_wait3A_110 : memref<1000000x64xf32, #tpu.memory_space<hbm>>) dst(%arg11 : memref<128x64xf32, #tpu.memory_space<vmem>>)
    %dma_start3A_111 = arith.constant 75 : i32
    %dma_start3A_112 = arith.constant 0 : i32
    %dma_start3A_113 = tpu.memref_slice %arg7[%dma_start3A_111, %dma_start3A_112] : memref<80x128xi32, #tpu.memory_space<vmem>> -> memref<1x128xi32, #tpu.memory_space<vmem>>
    %dma_start3A_114 = tpu.memref_squeeze %dma_start3A_113 : memref<1x128xi32, #tpu.memory_space<vmem>> -> memref<128xi32, #tpu.memory_space<vmem>>
    %dma_start3A_115 = arith.constant 0 : i32
    %dma_start3A_116 = arith.constant 0 : i32
    %dma_start3A_117 = tpu.memref_slice %arg5[%dma_start3A_115, %dma_start3A_116] : memref<786432x64xf32, #tpu.memory_space<hbm>> -> memref<786432x64xf32, #tpu.memory_space<hbm>>
    tpu.enqueue_indirect_dma source(%arg11 : memref<128x64xf32, #tpu.memory_space<vmem>>) target(%dma_start3A_117 : memref<786432x64xf32, #tpu.memory_space<hbm>>) offsets(%dma_start3A_114 : memref<128xi32, #tpu.memory_space<vmem>>) semaphore(%arg27 : memref<!tpu.dma_semaphore, #tpu.memory_space<semaphore_mem>>)
    %dma_wait3A_118 = arith.constant 76 : i32
    %dma_wait3A_119 = arith.constant 0 : i32
    %dma_wait3A_120 = tpu.memref_slice %arg6[%dma_wait3A_118, %dma_wait3A_119] : memref<80x128xi32, #tpu.memory_space<vmem>> -> memref<1x128xi32, #tpu.memory_space<vmem>>
    %dma_wait3A_121 = tpu.memref_squeeze %dma_wait3A_120 : memref<1x128xi32, #tpu.memory_space<vmem>> -> memref<128xi32, #tpu.memory_space<vmem>>
    %dma_wait3A_122 = arith.constant 0 : i32
    %dma_wait3A_123 = arith.constant 0 : i32
    %dma_wait3A_124 = tpu.memref_slice %arg4[%dma_wait3A_122, %dma_wait3A_123] : memref<1000000x64xf32, #tpu.memory_space<hbm>> -> memref<1000000x64xf32, #tpu.memory_space<hbm>>
    tpu.wait_indirect_dma semaphore(%arg20 : memref<!tpu.dma_semaphore, #tpu.memory_space<semaphore_mem>>) src(%dma_wait3A_124 : memref<1000000x64xf32, #tpu.memory_space<hbm>>) dst(%arg12 : memref<128x64xf32, #tpu.memory_space<vmem>>)
    %dma_start3A_125 = arith.constant 76 : i32
    %dma_start3A_126 = arith.constant 0 : i32
    %dma_start3A_127 = tpu.memref_slice %arg7[%dma_start3A_125, %dma_start3A_126] : memref<80x128xi32, #tpu.memory_space<vmem>> -> memref<1x128xi32, #tpu.memory_space<vmem>>
    %dma_start3A_128 = tpu.memref_squeeze %dma_start3A_127 : memref<1x128xi32, #tpu.memory_space<vmem>> -> memref<128xi32, #tpu.memory_space<vmem>>
    %dma_start3A_129 = arith.constant 0 : i32
    %dma_start3A_130 = arith.constant 0 : i32
    %dma_start3A_131 = tpu.memref_slice %arg5[%dma_start3A_129, %dma_start3A_130] : memref<786432x64xf32, #tpu.memory_space<hbm>> -> memref<786432x64xf32, #tpu.memory_space<hbm>>
    tpu.enqueue_indirect_dma source(%arg12 : memref<128x64xf32, #tpu.memory_space<vmem>>) target(%dma_start3A_131 : memref<786432x64xf32, #tpu.memory_space<hbm>>) offsets(%dma_start3A_128 : memref<128xi32, #tpu.memory_space<vmem>>) semaphore(%arg28 : memref<!tpu.dma_semaphore, #tpu.memory_space<semaphore_mem>>)
    %dma_wait3A_132 = arith.constant 77 : i32
    %dma_wait3A_133 = arith.constant 0 : i32
    %dma_wait3A_134 = tpu.memref_slice %arg6[%dma_wait3A_132, %dma_wait3A_133] : memref<80x128xi32, #tpu.memory_space<vmem>> -> memref<1x128xi32, #tpu.memory_space<vmem>>
    %dma_wait3A_135 = tpu.memref_squeeze %dma_wait3A_134 : memref<1x128xi32, #tpu.memory_space<vmem>> -> memref<128xi32, #tpu.memory_space<vmem>>
    %dma_wait3A_136 = arith.constant 0 : i32
    %dma_wait3A_137 = arith.constant 0 : i32
    %dma_wait3A_138 = tpu.memref_slice %arg4[%dma_wait3A_136, %dma_wait3A_137] : memref<1000000x64xf32, #tpu.memory_space<hbm>> -> memref<1000000x64xf32, #tpu.memory_space<hbm>>
    tpu.wait_indirect_dma semaphore(%arg21 : memref<!tpu.dma_semaphore, #tpu.memory_space<semaphore_mem>>) src(%dma_wait3A_138 : memref<1000000x64xf32, #tpu.memory_space<hbm>>) dst(%arg13 : memref<128x64xf32, #tpu.memory_space<vmem>>)
    %dma_start3A_139 = arith.constant 77 : i32
    %dma_start3A_140 = arith.constant 0 : i32
    %dma_start3A_141 = tpu.memref_slice %arg7[%dma_start3A_139, %dma_start3A_140] : memref<80x128xi32, #tpu.memory_space<vmem>> -> memref<1x128xi32, #tpu.memory_space<vmem>>
    %dma_start3A_142 = tpu.memref_squeeze %dma_start3A_141 : memref<1x128xi32, #tpu.memory_space<vmem>> -> memref<128xi32, #tpu.memory_space<vmem>>
    %dma_start3A_143 = arith.constant 0 : i32
    %dma_start3A_144 = arith.constant 0 : i32
    %dma_start3A_145 = tpu.memref_slice %arg5[%dma_start3A_143, %dma_start3A_144] : memref<786432x64xf32, #tpu.memory_space<hbm>> -> memref<786432x64xf32, #tpu.memory_space<hbm>>
    tpu.enqueue_indirect_dma source(%arg13 : memref<128x64xf32, #tpu.memory_space<vmem>>) target(%dma_start3A_145 : memref<786432x64xf32, #tpu.memory_space<hbm>>) offsets(%dma_start3A_142 : memref<128xi32, #tpu.memory_space<vmem>>) semaphore(%arg29 : memref<!tpu.dma_semaphore, #tpu.memory_space<semaphore_mem>>)
    %dma_wait3A_146 = arith.constant 78 : i32
    %dma_wait3A_147 = arith.constant 0 : i32
    %dma_wait3A_148 = tpu.memref_slice %arg6[%dma_wait3A_146, %dma_wait3A_147] : memref<80x128xi32, #tpu.memory_space<vmem>> -> memref<1x128xi32, #tpu.memory_space<vmem>>
    %dma_wait3A_149 = tpu.memref_squeeze %dma_wait3A_148 : memref<1x128xi32, #tpu.memory_space<vmem>> -> memref<128xi32, #tpu.memory_space<vmem>>
    %dma_wait3A_150 = arith.constant 0 : i32
    %dma_wait3A_151 = arith.constant 0 : i32
    %dma_wait3A_152 = tpu.memref_slice %arg4[%dma_wait3A_150, %dma_wait3A_151] : memref<1000000x64xf32, #tpu.memory_space<hbm>> -> memref<1000000x64xf32, #tpu.memory_space<hbm>>
    tpu.wait_indirect_dma semaphore(%arg22 : memref<!tpu.dma_semaphore, #tpu.memory_space<semaphore_mem>>) src(%dma_wait3A_152 : memref<1000000x64xf32, #tpu.memory_space<hbm>>) dst(%arg14 : memref<128x64xf32, #tpu.memory_space<vmem>>)
    %dma_start3A_153 = arith.constant 78 : i32
    %dma_start3A_154 = arith.constant 0 : i32
    %dma_start3A_155 = tpu.memref_slice %arg7[%dma_start3A_153, %dma_start3A_154] : memref<80x128xi32, #tpu.memory_space<vmem>> -> memref<1x128xi32, #tpu.memory_space<vmem>>
    %dma_start3A_156 = tpu.memref_squeeze %dma_start3A_155 : memref<1x128xi32, #tpu.memory_space<vmem>> -> memref<128xi32, #tpu.memory_space<vmem>>
    %dma_start3A_157 = arith.constant 0 : i32
    %dma_start3A_158 = arith.constant 0 : i32
    %dma_start3A_159 = tpu.memref_slice %arg5[%dma_start3A_157, %dma_start3A_158] : memref<786432x64xf32, #tpu.memory_space<hbm>> -> memref<786432x64xf32, #tpu.memory_space<hbm>>
    tpu.enqueue_indirect_dma source(%arg14 : memref<128x64xf32, #tpu.memory_space<vmem>>) target(%dma_start3A_159 : memref<786432x64xf32, #tpu.memory_space<hbm>>) offsets(%dma_start3A_156 : memref<128xi32, #tpu.memory_space<vmem>>) semaphore(%arg30 : memref<!tpu.dma_semaphore, #tpu.memory_space<semaphore_mem>>)
    %dma_wait3A_160 = arith.constant 79 : i32
    %dma_wait3A_161 = arith.constant 0 : i32
    %dma_wait3A_162 = tpu.memref_slice %arg6[%dma_wait3A_160, %dma_wait3A_161] : memref<80x128xi32, #tpu.memory_space<vmem>> -> memref<1x128xi32, #tpu.memory_space<vmem>>
    %dma_wait3A_163 = tpu.memref_squeeze %dma_wait3A_162 : memref<1x128xi32, #tpu.memory_space<vmem>> -> memref<128xi32, #tpu.memory_space<vmem>>
    %dma_wait3A_164 = arith.constant 0 : i32
    %dma_wait3A_165 = arith.constant 0 : i32
    %dma_wait3A_166 = tpu.memref_slice %arg4[%dma_wait3A_164, %dma_wait3A_165] : memref<1000000x64xf32, #tpu.memory_space<hbm>> -> memref<1000000x64xf32, #tpu.memory_space<hbm>>
    tpu.wait_indirect_dma semaphore(%arg23 : memref<!tpu.dma_semaphore, #tpu.memory_space<semaphore_mem>>) src(%dma_wait3A_166 : memref<1000000x64xf32, #tpu.memory_space<hbm>>) dst(%arg15 : memref<128x64xf32, #tpu.memory_space<vmem>>)
    %dma_start3A_167 = arith.constant 79 : i32
    %dma_start3A_168 = arith.constant 0 : i32
    %dma_start3A_169 = tpu.memref_slice %arg7[%dma_start3A_167, %dma_start3A_168] : memref<80x128xi32, #tpu.memory_space<vmem>> -> memref<1x128xi32, #tpu.memory_space<vmem>>
    %dma_start3A_170 = tpu.memref_squeeze %dma_start3A_169 : memref<1x128xi32, #tpu.memory_space<vmem>> -> memref<128xi32, #tpu.memory_space<vmem>>
    %dma_start3A_171 = arith.constant 0 : i32
    %dma_start3A_172 = arith.constant 0 : i32
    %dma_start3A_173 = tpu.memref_slice %arg5[%dma_start3A_171, %dma_start3A_172] : memref<786432x64xf32, #tpu.memory_space<hbm>> -> memref<786432x64xf32, #tpu.memory_space<hbm>>
    tpu.enqueue_indirect_dma source(%arg15 : memref<128x64xf32, #tpu.memory_space<vmem>>) target(%dma_start3A_173 : memref<786432x64xf32, #tpu.memory_space<hbm>>) offsets(%dma_start3A_170 : memref<128xi32, #tpu.memory_space<vmem>>) semaphore(%arg31 : memref<!tpu.dma_semaphore, #tpu.memory_space<semaphore_mem>>)
    %dma_wait3A_174 = arith.constant 72 : i32
    %dma_wait3A_175 = arith.constant 0 : i32
    %dma_wait3A_176 = tpu.memref_slice %arg7[%dma_wait3A_174, %dma_wait3A_175] : memref<80x128xi32, #tpu.memory_space<vmem>> -> memref<1x128xi32, #tpu.memory_space<vmem>>
    %dma_wait3A_177 = tpu.memref_squeeze %dma_wait3A_176 : memref<1x128xi32, #tpu.memory_space<vmem>> -> memref<128xi32, #tpu.memory_space<vmem>>
    %dma_wait3A_178 = arith.constant 0 : i32
    %dma_wait3A_179 = arith.constant 0 : i32
    %dma_wait3A_180 = tpu.memref_slice %arg5[%dma_wait3A_178, %dma_wait3A_179] : memref<786432x64xf32, #tpu.memory_space<hbm>> -> memref<786432x64xf32, #tpu.memory_space<hbm>>
    tpu.wait_indirect_dma semaphore(%arg24 : memref<!tpu.dma_semaphore, #tpu.memory_space<semaphore_mem>>) src(%arg8 : memref<128x64xf32, #tpu.memory_space<vmem>>) dst(%dma_wait3A_180 : memref<786432x64xf32, #tpu.memory_space<hbm>>)
    %dma_wait3A_181 = arith.constant 73 : i32
    %dma_wait3A_182 = arith.constant 0 : i32
    %dma_wait3A_183 = tpu.memref_slice %arg7[%dma_wait3A_181, %dma_wait3A_182] : memref<80x128xi32, #tpu.memory_space<vmem>> -> memref<1x128xi32, #tpu.memory_space<vmem>>
    %dma_wait3A_184 = tpu.memref_squeeze %dma_wait3A_183 : memref<1x128xi32, #tpu.memory_space<vmem>> -> memref<128xi32, #tpu.memory_space<vmem>>
    %dma_wait3A_185 = arith.constant 0 : i32
    %dma_wait3A_186 = arith.constant 0 : i32
    %dma_wait3A_187 = tpu.memref_slice %arg5[%dma_wait3A_185, %dma_wait3A_186] : memref<786432x64xf32, #tpu.memory_space<hbm>> -> memref<786432x64xf32, #tpu.memory_space<hbm>>
    tpu.wait_indirect_dma semaphore(%arg25 : memref<!tpu.dma_semaphore, #tpu.memory_space<semaphore_mem>>) src(%arg9 : memref<128x64xf32, #tpu.memory_space<vmem>>) dst(%dma_wait3A_187 : memref<786432x64xf32, #tpu.memory_space<hbm>>)
    %dma_wait3A_188 = arith.constant 74 : i32
    %dma_wait3A_189 = arith.constant 0 : i32
    %dma_wait3A_190 = tpu.memref_slice %arg7[%dma_wait3A_188, %dma_wait3A_189] : memref<80x128xi32, #tpu.memory_space<vmem>> -> memref<1x128xi32, #tpu.memory_space<vmem>>
    %dma_wait3A_191 = tpu.memref_squeeze %dma_wait3A_190 : memref<1x128xi32, #tpu.memory_space<vmem>> -> memref<128xi32, #tpu.memory_space<vmem>>
    %dma_wait3A_192 = arith.constant 0 : i32
    %dma_wait3A_193 = arith.constant 0 : i32
    %dma_wait3A_194 = tpu.memref_slice %arg5[%dma_wait3A_192, %dma_wait3A_193] : memref<786432x64xf32, #tpu.memory_space<hbm>> -> memref<786432x64xf32, #tpu.memory_space<hbm>>
    tpu.wait_indirect_dma semaphore(%arg26 : memref<!tpu.dma_semaphore, #tpu.memory_space<semaphore_mem>>) src(%arg10 : memref<128x64xf32, #tpu.memory_space<vmem>>) dst(%dma_wait3A_194 : memref<786432x64xf32, #tpu.memory_space<hbm>>)
    %dma_wait3A_195 = arith.constant 75 : i32
    %dma_wait3A_196 = arith.constant 0 : i32
    %dma_wait3A_197 = tpu.memref_slice %arg7[%dma_wait3A_195, %dma_wait3A_196] : memref<80x128xi32, #tpu.memory_space<vmem>> -> memref<1x128xi32, #tpu.memory_space<vmem>>
    %dma_wait3A_198 = tpu.memref_squeeze %dma_wait3A_197 : memref<1x128xi32, #tpu.memory_space<vmem>> -> memref<128xi32, #tpu.memory_space<vmem>>
    %dma_wait3A_199 = arith.constant 0 : i32
    %dma_wait3A_200 = arith.constant 0 : i32
    %dma_wait3A_201 = tpu.memref_slice %arg5[%dma_wait3A_199, %dma_wait3A_200] : memref<786432x64xf32, #tpu.memory_space<hbm>> -> memref<786432x64xf32, #tpu.memory_space<hbm>>
    tpu.wait_indirect_dma semaphore(%arg27 : memref<!tpu.dma_semaphore, #tpu.memory_space<semaphore_mem>>) src(%arg11 : memref<128x64xf32, #tpu.memory_space<vmem>>) dst(%dma_wait3A_201 : memref<786432x64xf32, #tpu.memory_space<hbm>>)
    %dma_wait3A_202 = arith.constant 76 : i32
    %dma_wait3A_203 = arith.constant 0 : i32
    %dma_wait3A_204 = tpu.memref_slice %arg7[%dma_wait3A_202, %dma_wait3A_203] : memref<80x128xi32, #tpu.memory_space<vmem>> -> memref<1x128xi32, #tpu.memory_space<vmem>>
    %dma_wait3A_205 = tpu.memref_squeeze %dma_wait3A_204 : memref<1x128xi32, #tpu.memory_space<vmem>> -> memref<128xi32, #tpu.memory_space<vmem>>
    %dma_wait3A_206 = arith.constant 0 : i32
    %dma_wait3A_207 = arith.constant 0 : i32
    %dma_wait3A_208 = tpu.memref_slice %arg5[%dma_wait3A_206, %dma_wait3A_207] : memref<786432x64xf32, #tpu.memory_space<hbm>> -> memref<786432x64xf32, #tpu.memory_space<hbm>>
    tpu.wait_indirect_dma semaphore(%arg28 : memref<!tpu.dma_semaphore, #tpu.memory_space<semaphore_mem>>) src(%arg12 : memref<128x64xf32, #tpu.memory_space<vmem>>) dst(%dma_wait3A_208 : memref<786432x64xf32, #tpu.memory_space<hbm>>)
    %dma_wait3A_209 = arith.constant 77 : i32
    %dma_wait3A_210 = arith.constant 0 : i32
    %dma_wait3A_211 = tpu.memref_slice %arg7[%dma_wait3A_209, %dma_wait3A_210] : memref<80x128xi32, #tpu.memory_space<vmem>> -> memref<1x128xi32, #tpu.memory_space<vmem>>
    %dma_wait3A_212 = tpu.memref_squeeze %dma_wait3A_211 : memref<1x128xi32, #tpu.memory_space<vmem>> -> memref<128xi32, #tpu.memory_space<vmem>>
    %dma_wait3A_213 = arith.constant 0 : i32
    %dma_wait3A_214 = arith.constant 0 : i32
    %dma_wait3A_215 = tpu.memref_slice %arg5[%dma_wait3A_213, %dma_wait3A_214] : memref<786432x64xf32, #tpu.memory_space<hbm>> -> memref<786432x64xf32, #tpu.memory_space<hbm>>
    tpu.wait_indirect_dma semaphore(%arg29 : memref<!tpu.dma_semaphore, #tpu.memory_space<semaphore_mem>>) src(%arg13 : memref<128x64xf32, #tpu.memory_space<vmem>>) dst(%dma_wait3A_215 : memref<786432x64xf32, #tpu.memory_space<hbm>>)
    %dma_wait3A_216 = arith.constant 78 : i32
    %dma_wait3A_217 = arith.constant 0 : i32
    %dma_wait3A_218 = tpu.memref_slice %arg7[%dma_wait3A_216, %dma_wait3A_217] : memref<80x128xi32, #tpu.memory_space<vmem>> -> memref<1x128xi32, #tpu.memory_space<vmem>>
    %dma_wait3A_219 = tpu.memref_squeeze %dma_wait3A_218 : memref<1x128xi32, #tpu.memory_space<vmem>> -> memref<128xi32, #tpu.memory_space<vmem>>
    %dma_wait3A_220 = arith.constant 0 : i32
    %dma_wait3A_221 = arith.constant 0 : i32
    %dma_wait3A_222 = tpu.memref_slice %arg5[%dma_wait3A_220, %dma_wait3A_221] : memref<786432x64xf32, #tpu.memory_space<hbm>> -> memref<786432x64xf32, #tpu.memory_space<hbm>>
    tpu.wait_indirect_dma semaphore(%arg30 : memref<!tpu.dma_semaphore, #tpu.memory_space<semaphore_mem>>) src(%arg14 : memref<128x64xf32, #tpu.memory_space<vmem>>) dst(%dma_wait3A_222 : memref<786432x64xf32, #tpu.memory_space<hbm>>)
    %dma_wait3A_223 = arith.constant 79 : i32
    %dma_wait3A_224 = arith.constant 0 : i32
    %dma_wait3A_225 = tpu.memref_slice %arg7[%dma_wait3A_223, %dma_wait3A_224] : memref<80x128xi32, #tpu.memory_space<vmem>> -> memref<1x128xi32, #tpu.memory_space<vmem>>
    %dma_wait3A_226 = tpu.memref_squeeze %dma_wait3A_225 : memref<1x128xi32, #tpu.memory_space<vmem>> -> memref<128xi32, #tpu.memory_space<vmem>>
    %dma_wait3A_227 = arith.constant 0 : i32
    %dma_wait3A_228 = arith.constant 0 : i32
    %dma_wait3A_229 = tpu.memref_slice %arg5[%dma_wait3A_227, %dma_wait3A_228] : memref<786432x64xf32, #tpu.memory_space<hbm>> -> memref<786432x64xf32, #tpu.memory_space<hbm>>
    tpu.wait_indirect_dma semaphore(%arg31 : memref<!tpu.dma_semaphore, #tpu.memory_space<semaphore_mem>>) src(%arg15 : memref<128x64xf32, #tpu.memory_space<vmem>>) dst(%dma_wait3A_229 : memref<786432x64xf32, #tpu.memory_space<hbm>>)
    return
  }
}

</mosaic_0001>

<sc_bundles>
// kernel: kernel.3.cloned.1.call-start
scs
__scs_entry_jumppad:
0x0: {  	(pc) =	sbr.rel $0x88, $3  }
0x1: {  	(tag) =	ssettag $0x0;
	lr =	simm.s32 $0x1  }
0x2: {  	[smem:$0x3F9F] =	sst lr;
	_ =	strace $0xD0000000  }
0x3: {  	_ = 	snop  }
0x4: {  	_ = 	snop  }
0x5: {  	_ = 	snop  }
0x6: {  	_ = 	snop  }
0x7: {  	_ = 	snop  }
__scs_overlays_trampoline_lowered:
0x8: {  	[smem:$0x3FAE] =	sst s0  }
0x9: {  	[smem:$0x3FAF] =	sst s1  }
0xa: {  	[smem:$0x3FB0] =	sst s2  }
0xb: {  	[smem:$0x3FB1] =	sst s3  }
0xc: {  	[smem:$0x3FB2] =	sst s4  }
0xd: {  	[smem:$0x3FB3] =	sst s5  }
0xe: {  	[smem:$0x3FB4] =	sst s6  }
0xf: {  	[smem:$0x3FB5] =	sst s7  }
0x10: {  	[smem:$0x3FB6] =	sst s8  }
0x11: {  	[smem:$0x3FB7] =	sst s9;
	s0 =	simm.s32 @!p0 $0x0  }
0x12: {  	s1 =	sld [smem:$0x3F9D];
	s0 =	simm.s32 @p0 $0x1  }
0x13: {  	[smem:$0x3FB8] =	sst s0;
	s0 =	simm.s32 @!p1 $0x0  }
0x14: {  	s2 =	sld [smem:$0x3F9C];
	s0 =	simm.s32 @p1 $0x1  }
0x15: {  	[smem:$0x3FB9] =	sst s0;
	s0 =	simm.s32 @!p2 $0x0  }
0x16: {  	s3 =	sld [smem:$0x3FDB];
	s0 =	simm.s32 @p2 $0x1  }
0x17: {  	s4 =	simm.s32 $0x1BF5;
	[smem:$0x3FBB] =	sst s0  }
0x18: {  	s0 =	sld [smem:$0x3F9E];
	_ =	swait.ge [sflag:s4], $0x0  }
0x19: {  	s7 =	sld [smem:$0x3F9F]  }
0x1a: {  	s8 =	sadd.s32 $0xFFFFE003, lr  }
0x1b: {  	s9 =	sadd.s32 $0xFFFFFEF7, lr;
	s5 =	simm.s32 $0xFFFFFFFF;
	p2 =	slt.u32 s8, $0xFFFFF086  }
0x1c: {  	p1 =	slt.u32 s9, $0xF7A;
	s5 =	simm.s32 @!p2 $0x0  }
0x1d: {  	s5 =	simm.s32 @p1 $0x1;
	p0 =	seq.s32 s7, s2  }
0x1e: {  	s7 =	smul.u32 @!p0 $0xF7A, s2;
	p2 =	seq.s32 @!p0 s5, $0x0  }
0x1f: {  	s9 =	smul.u32 $0xF7A, s1;
	s8 =	simm.s32 @!p0 $0x1BF5;
	p2 =	por !p2, p0  }
0x20: {  	[sflag:s8] =	ssyncset.s32 @!p0 $0xFFFFF086;
	s6 =	sadd.s32 @!p0 s3, s7;
	s7 =	simm.s32 @!p0 $0x108  }
0x21: {  	s3 =	sadd.s32 s3, s9;
	s6 =	sadd.s32 @!p0 $0x88, s6;
	s7 =	simm.s32 @p2 $0x1082  }
0x22: {  	[simem:s7], [sflag:s8] =	dma.local @!p0 [hbm:s6], $0xF7A  }
0x23: {  	s9 =	sor.u32 $0xD0000000, s2;
	s6 =	simm.s32 $0x108;
	_ =	swait.ge @!p0 [sflag:s8], $0x0  }
0x24: {  	s3 =	sadd.s32 $0x88, s3;
	s6 =	simm.s32 @!p1 $0x1082;
	[sflag:s4] =	ssyncset.s32 $0xFFFFF086  }
0x25: {  	[simem:s6], [sflag:s4] =	dma.local [hbm:s3], $0xF7A  }
0x26: {  	[smem:$0x3F9F] =	sst s1;
	(tag) =	ssettag s2;
	_ =	strace s9  }
0x27: {  	s1 =	sld [smem:$0x3FAF]  }
0x28: {  	s2 =	sld [smem:$0x3FB0]  }
0x29: {  	s4 =	sld [smem:$0x3FB2]  }
0x2a: {  	p0 =	seq.s32 s5, $0x0;
	s5 =	sld [smem:$0x3FB3]  }
0x2b: {  	s6 =	sld [smem:$0x3FB4]  }
0x2c: {  	s7 =	sld [smem:$0x3FB5]  }
0x2d: {  	s3 =	simm.s32 $0x108;
	s8 =	sld [smem:$0x3FB6]  }
0x2e: {  	s3 =	simm.s32 @!p0 $0x1082;
	s9 =	sld [smem:$0x3FB7]  }
0x2f: {  	lr =	sadd.s32 s0, s3;
	s0 =	sld [smem:$0x3FAE]  }
0x30: {  	s3 =	sld [smem:$0x3FB1]  }
0x31: {  	[smem:$0x3FBA] =	sst s10  }
0x32: {  	s10 =	sld [smem:$0x3FB8];
	_ =	sdelay $0x3  }
0x33: {  	p0 =	seq.s32 s10, $0x1;
	s10 =	sld [smem:$0x3FBA];
	_ =	sdelay $0x3  }
0x34: {  	[smem:$0x3FBA] =	sst s10  }
0x35: {  	s10 =	sld [smem:$0x3FB9];
	_ =	sdelay $0x3  }
0x36: {  	p1 =	seq.s32 s10, $0x1;
	s10 =	sld [smem:$0x3FBA];
	_ =	sdelay $0x3  }
0x37: {  	[smem:$0x3FBA] =	sst s10  }
0x38: {  	s10 =	sld [smem:$0x3FBB]  }
0x39: {  	_ = 	snop;
	(pc) =	sbr.ind lr, $3  }
0x3a: {  	_ = 	snop  }
0x3b: {  	_ = 	snop  }
0x3c: {  	p2 =	seq.s32 s10, $0x1;
	s10 =	sld [smem:$0x3FBA]  }
0x3d: {  	_ =	shalt  }
0x3e: {  	_ =	shalt  }
0x3f: {  	_ =	shalt  }
0x40: {  	_ =	shalt  }
0x41: {  	_ =	shalt  }
0x42: {  	_ =	shalt  }
0x43: {  	_ =	shalt  }
0x44: {  	_ =	shalt  }
0x45: {  	_ =	shalt  }
0x46: {  	_ =	shalt  }
0x47: {  	_ =	shalt  }
0x48: {  	_ =	shalt  }
0x49: {  	_ =	shalt  }
0x4a: {  	_ =	shalt  }
0x4b: {  	_ =	shalt  }
0x4c: {  	_ =	shalt  }
0x4d: {  	_ =	shalt  }
0x4e: {  	_ =	shalt  }
0x4f: {  	_ =	shalt  }
0x50: {  	_ =	shalt  }
0x51: {  	_ =	shalt  }
0x52: {  	_ =	shalt  }
0x53: {  	_ =	shalt  }
0x54: {  	_ =	shalt  }
0x55: {  	_ =	shalt  }
0x56: {  	_ =	shalt  }
0x57: {  	_ =	shalt  }
0x58: {  	_ =	shalt  }
0x59: {  	_ =	shalt  }
0x5a: {  	_ =	shalt  }
0x5b: {  	_ =	shalt  }
0x5c: {  	_ =	shalt  }
0x5d: {  	_ =	shalt  }
0x5e: {  	_ =	shalt  }
0x5f: {  	_ =	shalt  }
0x60: {  	_ =	shalt  }
0x61: {  	_ =	shalt  }
0x62: {  	_ =	shalt  }
0x63: {  	_ =	shalt  }
0x64: {  	_ =	shalt  }
0x65: {  	_ =	shalt  }
0x66: {  	_ =	shalt  }
0x67: {  	_ =	shalt  }
0x68: {  	_ =	shalt  }
0x69: {  	_ =	shalt  }
0x6a: {  	_ =	shalt  }
0x6b: {  	_ =	shalt  }
0x6c: {  	_ =	shalt  }
0x6d: {  	_ =	shalt  }
0x6e: {  	_ =	shalt  }
0x6f: {  	_ =	shalt  }
0x70: {  	_ =	shalt  }
0x71: {  	_ =	shalt  }
0x72: {  	_ =	shalt  }
0x73: {  	_ =	shalt  }
0x74: {  	_ =	shalt  }
0x75: {  	_ =	shalt  }
0x76: {  	_ =	shalt  }
0x77: {  	_ =	shalt  }
0x78: {  	_ =	shalt  }
0x79: {  	_ =	shalt  }
0x7a: {  	_ =	shalt  }
0x7b: {  	_ =	shalt  }
0x7c: {  	_ =	shalt  }
0x7d: {  	_ =	shalt  }
0x7e: {  	_ =	shalt  }
0x7f: {  	_ =	shalt  }
0x80: {  	_ =	shalt  }
0x81: {  	_ =	shalt  }
0x82: {  	_ =	shalt  }
0x83: {  	_ =	shalt  }
0x84: {  	_ =	shalt  }
0x85: {  	_ =	shalt  }
0x86: {  	_ =	shalt  }
0x87: {  	_ =	shalt  }
.Lfunc_end0:
.L_simem_size_0:
called_computation.1_lowered:
.L_overlay_start_0:
0x88: {  	s2 =	sld [smem:$0x3FD9]  }
0x89: {  	s3 =	sld [smem:$0x3FFE];
	_ =	sdelay $0x1  }
0x8a: {  	s1 =	srdreg.scid  }
0x8b: {  	s0 =	sand.u32 $0x1, s1  }
0x8c: {  	s17 =	sshll.u32 s0, $0xA;
	s2 =	sadd.s32 s3, s2  }
0x8d: {  	s2 =	sadd.s32 s2, s17  }
0x8e: {  	[smem:$0x3FC6] =	sst s2  }
0x8f: {  	_ = 	snop  }
0x90: {  	s2 =	sld [smem:$0x3FD0];
	(tm) =	ssettm $0x1  }
0x91: {  	s18 =	sld [smem:$0x3FFB];
	_ =	sdelay $0x3  }
0x92: {  	_ =	strace s18  }
0x93: {  	s3 =	sld [smem:$0x3FFC];
	_ =	sdelay $0x3  }
0x94: {  	_ =	strace s3  }
0x95: {  	s3 =	sld [smem:$0x3FFD];
	_ =	sdelay $0x3  }
0x96: {  	_ =	strace s3  }
0x97: {  	_ =	strace $0x8FFFFFFF  }
0x98: {  	s19 =	sld [smem:$0x3FDB];
	_ =	sdelay $0x1  }
0x99: {  	s4 =	simm.s32 $_scs_section_size  }
0x9a: {  	s5 =	simm.s32 $_size__tile_overlayer_lowered;
	s6 =	simm.s32 $_tile_overlayer_lowered  }
0x9b: {  	s22 =	simm.s32 $0x1BFF;
	s21 =	sshll.u32 s6, $0x1;
	s3 =	sadd.s32 s4, s19  }
0x9c: {  	s7 =	simm.s32 $0x0;
	s20 =	sshll.u32 s5, $0x1;
	s5 =	sadd.s32 s21, s3  }
0x9d: {  	[timem:s7], [sflag:s22] =	dma.local [hbm:s5], s20  }
0x9e: {  	_ =	swait.ge [sflag:s22], s20  }
0x9f: {  	s4 =	ssub.s32 $0x0, s20;
	[sflag:s22] =	ssyncset.done $0x0  }
0xa0: {  	[sflag:s22] =	ssyncadd.s32 s4;
	_ =	sdelay $0x1  }
0xa1: {  	s23 =	simm.s32 $0x1B8B  }
0xa2: {  	_ =	swait.ge [sflag:s23], $0x1  }
0xa3: {  	[sflag:s23] =	ssyncset.done $0x0  }
0xa4: {  	s25 =	simm.s32 $0x1B8E;
	s24 =	sld [smem:$0x3FFE];
	[sflag:s23] =	ssyncadd.s32 $0xFFFFFFFF  }
0xa5: {  	s26 =	simm.s32 $execute0_lowered;
	[smem:$0x3FD2] =	sst s25  }
0xa6: {  	s5 =	sshll.u32 s26, $0x1;
	_ =	strace $0x80000046;
	[dreg:$0x1] =	wrdreg $0xFFFFFFFF  }
0xa7: {  	s28 =	simm.s32 $_size_execute0_lowered;
	s3 =	sadd.s32 s3, s5;
	[dreg:$0x0] =	wrdreg $0x0  }
0xa8: {  	s5 =	sshll.u32 s28, $0x1;
	[dreg:$0x2] =	wrdreg s3  }
0xa9: {  	[dreg:$0x3] =	wrdreg s5  }
0xaa: {  	[dreg:$0x4] =	wrdreg $0xC0  }
0xab: {  	_ =	task [dreg:s7], $0x5FFFF  }
0xac: {  	[dreg:$0x1] =	wrdreg $0xFFFFFFFF  }
0xad: {  	[dreg:$0x0] =	wrdreg $0x60  }
0xae: {  	[dreg:$0x2] =	wrdreg s2  }
0xaf: {  	[dreg:$0x3] =	wrdreg s24  }
0xb0: {  	[dreg:$0x4] =	wrdreg $0x9  }
0xb1: {  	_ =	task.clear_ibuf [dreg:s7], $0x5FFFF;
	_ =	strace $0x90000046  }
0xb2: {  	s29 =	simm.s32 $0x9;
	_ =	strace $0x80000048  }
0xb3: {  	_ =	swait.ge [sflag:s29], $0x1  }
0xb4: {  	[sflag:s29] =	ssyncadd.s32 $0xFFFFFFFF  }
0xb5: {  	_ =	strace $0x90000048  }
0xb6: {  	_ =	sfence  }
0xb7: {  	s30 =	sld [smem:$0x0];
	_ =	sdelay $0x2  }
0xb8: {  	s31 =	sshll.u32 s1, $0xD;
	s1 =	sshrl.u32 s1, $0x2  }
0xb9: {  	s3 =	sand.u32 $0x4000, s31;
	s1 =	sadd.s32 s1, s30  }
0xba: {  	s0 =	sor.u32 s3, s0;
	s1 =	sshll.u32 s1, $0x11  }
0xbb: {  	s0 =	sor.u32 s1, s0  }
0xbc: {  	s0 =	sadd.s32 $0x8F2B, s0  }
0xbd: {  	[sflag:s0] =	ssyncadd.remote.s32 $0x1  }
0xbe: {  	_ =	sfence.sel $0xFFFF  }
0xbf: {  	[dreg:$0x0] =	wrdreg $0xFFFFFFFF;
	(pc) =	sbr.abs _section_cstart, $3  }
0xc0: {  	[dreg:$0x1] =	wrdreg $0xFFFFFFFF  }
0xc1: {  	_ =	task.clear_ibuf [dreg:s7], $0x2FFFF;
	_ =	strace $0x9FFFFFFF  }
0xc2: {  	(tm) =	ssettm $0x7FFFFFFF  }
0xc3: {  	_ =	shalt  }
tec
execute0_lowered:
.L_overlay_start_1:
0x0: {  	(tag) =	ssettag $0x1  }
0x1: {  	s0 =	srdreg.scid;
	s1 =	rddreg [dreg:$0x0]  }
0x2: {  	s2 =	stileid.u32;
	s4 =	rddreg [dreg:$0x1]  }
0x3: {  	s3 =	simm.s32 $0x0;
	s10 =	simm.s32 $0x80;
	s11 =	simm.s32 $0x5000  }
0x4: {  	s12 =	simm.s32 $0x7000;
	s14 =	simm.s32 $0x9000;
	s16 =	simm.s32 $0xB000  }
0x5: {  	s18 =	simm.s32 $0xD000;
	s20 =	simm.s32 $0xF000;
	s22 =	simm.s32 $0x11000  }
0x6: {  	s24 =	simm.s32 $0x13000;
	s25 =	simm.s32 $0x1;
	s28 =	simm.s32 $0x3  }
0x7: {  	s29 =	simm.s32 $0x4;
	s30 =	simm.s32 $0x5;
	s31 =	simm.s32 $0x6  }
0x8: {  	s9 =	simm.s32 $0x9;
	s13 =	simm.s32 $0xA;
	s15 =	simm.s32 $0xB  }
0x9: {  	s17 =	simm.s32 $0xC;
	s19 =	simm.s32 $0xD;
	s21 =	simm.s32 $0xE  }
0xa: {  	s23 =	simm.s32 $0xF;
	s0 =	sand.u32 $0x1, s0;
	s2 =	sshll.u32 s2, $0x1  }
0xb: {  	[smem:$0x7FF] =	sst s3;
	s2 =	sor.u32 s0, s2;
	s0 =	ssub.s32 $0x2, s0  }
0xc: {  	s3 =	sadd.s32 $0xF43000, s4;
	s2 =	smul.u32 $0x500, s2;
	s6 =	sshrl.u32 s0, $0x1  }
0xd: {  	_ =	strace $0x80000047;
	s0 =	ssub.s32 s0, s6;
	s6 =	simm.s32 $0x0  }
0xe: {  	s5 =	sadd.s32 s2, s4;
	s4 =	sadd.s32 $0xAC00, s4;
	s1 =	sadd.s32 s1, s2  }
0xf: {  	s0 =	smax.u32 s0, $0x1;
	[dreg:$0x3] =	wrdreg s1;
	s26 =	sadd.s32 $0xC00, s5  }
0x10: {  	[dreg:$0x5] =	wrdreg s0;
	s1 =	simm.s32 $0x7;
	s0 =	simm.s32 $0x8  }
0x11: {  	s5 =	simm.s32 $0x10;
	[dreg:$0x4] =	wrdreg s26;
	s26 =	simm.s32 $0x2  }
.LBB2_1:
0x12: {  	[dreg:$0x6] =	wrdreg s6  }
0x13: {  	s2 =	simm.s32 $0x0;
	s7 =	rddreg [dreg:$0x3];
	s8 =	simm.s32 $0x11  }
0x14: {  	[tilespmem:s2], [sflag:$0x11] =	stream.linear.gather [hbm4b:s7+s2], $0x2800, $0x38;
	[tilespmem:$0x15000] =	vst v63  }
0x15: {  	_ =	swait.ge [sflag:s8], $0x2800  }
0x16: {  	[sflag:s8] =	ssyncset.done $0x0  }
0x17: {  	s6 =	simm.s32 $0x2800;
	s7 =	rddreg [dreg:$0x4];
	[sflag:s8] =	ssyncadd.s32 $0xFFFFD800  }
0x18: {  	[tilespmem:s6], [sflag:$0x11] =	stream.linear.gather [hbm4b:s7+s2], $0x2800, $0x38;
	[tilespmem:$0x15000] =	vst v63  }
0x19: {  	_ =	swait.ge [sflag:s8], $0x2800  }
0x1a: {  	[sflag:s8] =	ssyncset.done $0x0  }
0x1b: {  	[sflag:s8] =	ssyncadd.s32 $0xFFFFD800  }
0x1c: {  	[tilespmem:s11], [sflag:$0x1] =	stream.indirect.gather [hbm4b:s3+s10], $0x40, s2, s10, $0xb8;
	[tilespmem:$0x15000] =	vst v63  }
0x1d: {  	_ = 	snop  }
0x1e: {  	[tilespmem:s12], [sflag:$0x2] =	stream.indirect.gather [hbm4b:s3+s10], $0x40, s10, s10, $0xb8;
	[tilespmem:$0x15000] =	vst v63  }
0x1f: {  	s6 =	simm.s32 $0x100  }
0x20: {  	[tilespmem:s14], [sflag:$0x3] =	stream.indirect.gather [hbm4b:s3+s10], $0x40, s6, s10, $0xb8;
	[tilespmem:$0x15000] =	vst v63  }
0x21: {  	s7 =	simm.s32 $0x180  }
0x22: {  	[tilespmem:s16], [sflag:$0x4] =	stream.indirect.gather [hbm4b:s3+s10], $0x40, s7, s10, $0xb8;
	[tilespmem:$0x15000] =	vst v63  }
0x23: {  	s8 =	simm.s32 $0x200  }
0x24: {  	[tilespmem:s18], [sflag:$0x5] =	stream.indirect.gather [hbm4b:s3+s10], $0x40, s8, s10, $0xb8;
	[tilespmem:$0x15000] =	vst v63  }
0x25: {  	s6 =	simm.s32 $0x280  }
0x26: {  	[tilespmem:s20], [sflag:$0x6] =	stream.indirect.gather [hbm4b:s3+s10], $0x40, s6, s10, $0xb8;
	[tilespmem:$0x15000] =	vst v63  }
0x27: {  	s7 =	simm.s32 $0x300  }
0x28: {  	[tilespmem:s22], [sflag:$0x7] =	stream.indirect.gather [hbm4b:s3+s10], $0x40, s7, s10, $0xb8;
	[tilespmem:$0x15000] =	vst v63  }
0x29: {  	s8 =	simm.s32 $0x380  }
0x2a: {  	[tilespmem:s24], [sflag:$0x8] =	stream.indirect.gather [hbm4b:s3+s10], $0x40, s8, s10, $0xb8;
	[tilespmem:$0x15000] =	vst v63  }
0x2b: {  	_ =	swait.ge [sflag:s25], $0x2000  }
0x2c: {  	[sflag:s25] =	ssyncset.done $0x0  }
0x2d: {  	s6 =	simm.s32 $0x2800;
	[sflag:s25] =	ssyncadd.s32 $0xFFFFE000  }
0x2e: {  	[hbm4b:s4+s10] =	stream.indirect.scatter [tilespmem:s11], [sflag:$0x9], $0x40, s6, s10, $0xb8;
	[tilespmem:$0x15000] =	vst v63  }
0x2f: {  	_ =	swait.ge [sflag:s26], $0x2000  }
0x30: {  	[sflag:s26] =	ssyncset.done $0x0  }
0x31: {  	s7 =	simm.s32 $0x2880;
	[sflag:s26] =	ssyncadd.s32 $0xFFFFE000  }
0x32: {  	[hbm4b:s4+s10] =	stream.indirect.scatter [tilespmem:s12], [sflag:$0xA], $0x40, s7, s10, $0xb8;
	[tilespmem:$0x15000] =	vst v63  }
0x33: {  	_ =	swait.ge [sflag:s28], $0x2000  }
0x34: {  	[sflag:s28] =	ssyncset.done $0x0  }
0x35: {  	s8 =	simm.s32 $0x2900;
	[sflag:s28] =	ssyncadd.s32 $0xFFFFE000  }
0x36: {  	[hbm4b:s4+s10] =	stream.indirect.scatter [tilespmem:s14], [sflag:$0xB], $0x40, s8, s10, $0xb8;
	[tilespmem:$0x15000] =	vst v63  }
0x37: {  	_ =	swait.ge [sflag:s29], $0x2000  }
0x38: {  	[sflag:s29] =	ssyncset.done $0x0  }
0x39: {  	s6 =	simm.s32 $0x2980;
	[sflag:s29] =	ssyncadd.s32 $0xFFFFE000  }
0x3a: {  	[hbm4b:s4+s10] =	stream.indirect.scatter [tilespmem:s16], [sflag:$0xC], $0x40, s6, s10, $0xb8;
	[tilespmem:$0x15000] =	vst v63  }
0x3b: {  	_ =	swait.ge [sflag:s30], $0x2000  }
0x3c: {  	[sflag:s30] =	ssyncset.done $0x0  }
0x3d: {  	s7 =	simm.s32 $0x2A00;
	[sflag:s30] =	ssyncadd.s32 $0xFFFFE000  }
0x3e: {  	[hbm4b:s4+s10] =	stream.indirect.scatter [tilespmem:s18], [sflag:$0xD], $0x40, s7, s10, $0xb8;
	[tilespmem:$0x15000] =	vst v63  }
0x3f: {  	_ =	swait.ge [sflag:s31], $0x2000  }
0x40: {  	[sflag:s31] =	ssyncset.done $0x0  }
0x41: {  	s8 =	simm.s32 $0x2A80;
	[sflag:s31] =	ssyncadd.s32 $0xFFFFE000  }
0x42: {  	[hbm4b:s4+s10] =	stream.indirect.scatter [tilespmem:s20], [sflag:$0xE], $0x40, s8, s10, $0xb8;
	[tilespmem:$0x15000] =	vst v63  }
0x43: {  	_ =	swait.ge [sflag:s1], $0x2000  }
0x44: {  	[sflag:s1] =	ssyncset.done $0x0  }
0x45: {  	s6 =	simm.s32 $0x2B00;
	[sflag:s1] =	ssyncadd.s32 $0xFFFFE000  }
0x46: {  	[hbm4b:s4+s10] =	stream.indirect.scatter [tilespmem:s22], [sflag:$0xF], $0x40, s6, s10, $0xb8;
	[tilespmem:$0x15000] =	vst v63  }
0x47: {  	_ =	swait.ge [sflag:s0], $0x2000  }
0x48: {  	[sflag:s0] =	ssyncset.done $0x0  }
0x49: {  	s7 =	simm.s32 $0x2B80;
	[sflag:s0] =	ssyncadd.s32 $0xFFFFE000  }
0x4a: {  	[hbm4b:s4+s10] =	stream.indirect.scatter [tilespmem:s24], [sflag:$0x10], $0x40, s7, s10, $0xb8;
	[tilespmem:$0x15000] =	vst v63  }
0x4b: {  	_ =	swait.ge [sflag:s9], $0x2000  }
0x4c: {  	[sflag:s9] =	ssyncset.done $0x0  }
0x4d: {  	s8 =	simm.s32 $0x400;
	[sflag:s9] =	ssyncadd.s32 $0xFFFFE000  }
0x4e: {  	[tilespmem:s11], [sflag:$0x1] =	stream.indirect.gather [hbm4b:s3+s10], $0x40, s8, s10, $0xb8;
	[tilespmem:$0x15000] =	vst v63  }
0x4f: {  	_ =	swait.ge [sflag:s13], $0x2000  }
0x50: {  	[sflag:s13] =	ssyncset.done $0x0  }
0x51: {  	s6 =	simm.s32 $0x480;
	[sflag:s13] =	ssyncadd.s32 $0xFFFFE000  }
0x52: {  	[tilespmem:s12], [sflag:$0x2] =	stream.indirect.gather [hbm4b:s3+s10], $0x40, s6, s10, $0xb8;
	[tilespmem:$0x15000] =	vst v63  }
0x53: {  	_ =	swait.ge [sflag:s15], $0x2000  }
0x54: {  	[sflag:s15] =	ssyncset.done $0x0  }
0x55: {  	s7 =	simm.s32 $0x500;
	[sflag:s15] =	ssyncadd.s32 $0xFFFFE000  }
0x56: {  	[tilespmem:s14], [sflag:$0x3] =	stream.indirect.gather [hbm4b:s3+s10], $0x40, s7, s10, $0xb8;
	[tilespmem:$0x15000] =	vst v63  }
0x57: {  	_ =	swait.ge [sflag:s17], $0x2000  }
0x58: {  	[sflag:s17] =	ssyncset.done $0x0  }
0x59: {  	s8 =	simm.s32 $0x580;
	[sflag:s17] =	ssyncadd.s32 $0xFFFFE000  }
0x5a: {  	[tilespmem:s16], [sflag:$0x4] =	stream.indirect.gather [hbm4b:s3+s10], $0x40, s8, s10, $0xb8;
	[tilespmem:$0x15000] =	vst v63  }
0x5b: {  	_ =	swait.ge [sflag:s19], $0x2000  }
0x5c: {  	[sflag:s19] =	ssyncset.done $0x0  }
0x5d: {  	s6 =	simm.s32 $0x600;
	[sflag:s19] =	ssyncadd.s32 $0xFFFFE000  }
0x5e: {  	[tilespmem:s18], [sflag:$0x5] =	stream.indirect.gather [hbm4b:s3+s10], $0x40, s6, s10, $0xb8;
	[tilespmem:$0x15000] =	vst v63  }
0x5f: {  	_ =	swait.ge [sflag:s21], $0x2000  }
0x60: {  	[sflag:s21] =	ssyncset.done $0x0  }
0x61: {  	s7 =	simm.s32 $0x680;
	[sflag:s21] =	ssyncadd.s32 $0xFFFFE000  }
0x62: {  	[tilespmem:s20], [sflag:$0x6] =	stream.indirect.gather [hbm4b:s3+s10], $0x40, s7, s10, $0xb8;
	[tilespmem:$0x15000] =	vst v63  }
0x63: {  	_ =	swait.ge [sflag:s23], $0x2000  }
0x64: {  	[sflag:s23] =	ssyncset.done $0x0  }
0x65: {  	s8 =	simm.s32 $0x700;
	[sflag:s23] =	ssyncadd.s32 $0xFFFFE000  }
0x66: {  	[tilespmem:s22], [sflag:$0x7] =	stream.indirect.gather [hbm4b:s3+s10], $0x40, s8, s10, $0xb8;
	[tilespmem:$0x15000] =	vst v63  }
0x67: {  	_ =	swait.ge [sflag:s5], $0x2000  }
0x68: {  	[sflag:s5] =	ssyncset.done $0x0  }
0x69: {  	s2 =	simm.s32 $0x780;
	s7 =	simm.s32 $0x1000;
	[sflag:s5] =	ssyncadd.s32 $0xFFFFE000  }
.LBB2_2:
0x6a: {  	[tilespmem:s24], [sflag:$0x8] =	stream.indirect.gather [hbm4b:s3+s10], $0x40, s2, s10, $0xb8;
	[tilespmem:$0x15000] =	vst v63  }
0x6b: {  	s2 =	smov.u32 s7  }
0x6c: {  	p0 =	sne.s32 s7, $0x8000;
	s7 =	sadd.s32 $0x1000, s7;
	_ =	swait.ge [sflag:s25], $0x2000  }
0x6d: {  	s2 =	sshra.s32 s2, $0x2;
	[sflag:s25] =	ssyncset.done $0x0  }
0x6e: {  	s8 =	sadd.s32 $0x2800, s2;
	[sflag:s25] =	ssyncadd.s32 $0xFFFFE000  }
0x6f: {  	[hbm4b:s4+s10] =	stream.indirect.scatter [tilespmem:s11], [sflag:$0x9], $0x40, s8, s10, $0xb8;
	[tilespmem:$0x15000] =	vst v63  }
0x70: {  	_ =	swait.ge [sflag:s26], $0x2000  }
0x71: {  	[sflag:s26] =	ssyncset.done $0x0  }
0x72: {  	s8 =	sadd.s32 $0x2880, s2;
	[sflag:s26] =	ssyncadd.s32 $0xFFFFE000  }
0x73: {  	[hbm4b:s4+s10] =	stream.indirect.scatter [tilespmem:s12], [sflag:$0xA], $0x40, s8, s10, $0xb8;
	[tilespmem:$0x15000] =	vst v63  }
0x74: {  	_ =	swait.ge [sflag:s28], $0x2000  }
0x75: {  	[sflag:s28] =	ssyncset.done $0x0  }
0x76: {  	s8 =	sadd.s32 $0x2900, s2;
	[sflag:s28] =	ssyncadd.s32 $0xFFFFE000  }
0x77: {  	[hbm4b:s4+s10] =	stream.indirect.scatter [tilespmem:s14], [sflag:$0xB], $0x40, s8, s10, $0xb8;
	[tilespmem:$0x15000] =	vst v63  }
0x78: {  	_ =	swait.ge [sflag:s29], $0x2000  }
0x79: {  	[sflag:s29] =	ssyncset.done $0x0  }
0x7a: {  	s8 =	sadd.s32 $0x2980, s2;
	[sflag:s29] =	ssyncadd.s32 $0xFFFFE000  }
0x7b: {  	[hbm4b:s4+s10] =	stream.indirect.scatter [tilespmem:s16], [sflag:$0xC], $0x40, s8, s10, $0xb8;
	[tilespmem:$0x15000] =	vst v63  }
0x7c: {  	_ =	swait.ge [sflag:s30], $0x2000  }
0x7d: {  	[sflag:s30] =	ssyncset.done $0x0  }
0x7e: {  	s8 =	sadd.s32 $0x2A00, s2;
	[sflag:s30] =	ssyncadd.s32 $0xFFFFE000  }
0x7f: {  	[hbm4b:s4+s10] =	stream.indirect.scatter [tilespmem:s18], [sflag:$0xD], $0x40, s8, s10, $0xb8;
	[tilespmem:$0x15000] =	vst v63  }
0x80: {  	_ =	swait.ge [sflag:s31], $0x2000  }
0x81: {  	[sflag:s31] =	ssyncset.done $0x0  }
0x82: {  	s8 =	sadd.s32 $0x2A80, s2;
	[sflag:s31] =	ssyncadd.s32 $0xFFFFE000  }
0x83: {  	[hbm4b:s4+s10] =	stream.indirect.scatter [tilespmem:s20], [sflag:$0xE], $0x40, s8, s10, $0xb8;
	[tilespmem:$0x15000] =	vst v63  }
0x84: {  	_ =	swait.ge [sflag:s1], $0x2000  }
0x85: {  	[sflag:s1] =	ssyncset.done $0x0  }
0x86: {  	s8 =	sadd.s32 $0x2B00, s2;
	[sflag:s1] =	ssyncadd.s32 $0xFFFFE000  }
0x87: {  	[hbm4b:s4+s10] =	stream.indirect.scatter [tilespmem:s22], [sflag:$0xF], $0x40, s8, s10, $0xb8;
	[tilespmem:$0x15000] =	vst v63  }
0x88: {  	_ =	swait.ge [sflag:s0], $0x2000  }
0x89: {  	[sflag:s0] =	ssyncset.done $0x0  }
0x8a: {  	s8 =	sadd.s32 $0x2B80, s2;
	[sflag:s0] =	ssyncadd.s32 $0xFFFFE000  }
0x8b: {  	[hbm4b:s4+s10] =	stream.indirect.scatter [tilespmem:s24], [sflag:$0x10], $0x40, s8, s10, $0xb8;
	[tilespmem:$0x15000] =	vst v63  }
0x8c: {  	_ =	swait.ge [sflag:s9], $0x2000  }
0x8d: {  	[sflag:s9] =	ssyncset.done $0x0  }
0x8e: {  	s8 =	sadd.s32 $0x400, s2;
	[sflag:s9] =	ssyncadd.s32 $0xFFFFE000  }
0x8f: {  	[tilespmem:s11], [sflag:$0x1] =	stream.indirect.gather [hbm4b:s3+s10], $0x40, s8, s10, $0xb8;
	[tilespmem:$0x15000] =	vst v63  }
0x90: {  	_ =	swait.ge [sflag:s13], $0x2000  }
0x91: {  	[sflag:s13] =	ssyncset.done $0x0  }
0x92: {  	s8 =	sadd.s32 $0x480, s2;
	[sflag:s13] =	ssyncadd.s32 $0xFFFFE000  }
0x93: {  	[tilespmem:s12], [sflag:$0x2] =	stream.indirect.gather [hbm4b:s3+s10], $0x40, s8, s10, $0xb8;
	[tilespmem:$0x15000] =	vst v63  }
0x94: {  	_ =	swait.ge [sflag:s15], $0x2000  }
0x95: {  	[sflag:s15] =	ssyncset.done $0x0  }
0x96: {  	s8 =	sadd.s32 $0x500, s2;
	[sflag:s15] =	ssyncadd.s32 $0xFFFFE000  }
0x97: {  	[tilespmem:s14], [sflag:$0x3] =	stream.indirect.gather [hbm4b:s3+s10], $0x40, s8, s10, $0xb8;
	[tilespmem:$0x15000] =	vst v63  }
0x98: {  	_ =	swait.ge [sflag:s17], $0x2000  }
0x99: {  	[sflag:s17] =	ssyncset.done $0x0  }
0x9a: {  	s8 =	sadd.s32 $0x580, s2;
	[sflag:s17] =	ssyncadd.s32 $0xFFFFE000  }
0x9b: {  	[tilespmem:s16], [sflag:$0x4] =	stream.indirect.gather [hbm4b:s3+s10], $0x40, s8, s10, $0xb8;
	[tilespmem:$0x15000] =	vst v63  }
0x9c: {  	_ =	swait.ge [sflag:s19], $0x2000  }
0x9d: {  	[sflag:s19] =	ssyncset.done $0x0  }
0x9e: {  	s8 =	sadd.s32 $0x600, s2;
	[sflag:s19] =	ssyncadd.s32 $0xFFFFE000  }
0x9f: {  	[tilespmem:s18], [sflag:$0x5] =	stream.indirect.gather [hbm4b:s3+s10], $0x40, s8, s10, $0xb8;
	[tilespmem:$0x15000] =	vst v63  }
0xa0: {  	_ =	swait.ge [sflag:s21], $0x2000  }
0xa1: {  	[sflag:s21] =	ssyncset.done $0x0  }
0xa2: {  	s8 =	sadd.s32 $0x680, s2;
	[sflag:s21] =	ssyncadd.s32 $0xFFFFE000  }
0xa3: {  	[tilespmem:s20], [sflag:$0x6] =	stream.indirect.gather [hbm4b:s3+s10], $0x40, s8, s10, $0xb8;
	[tilespmem:$0x15000] =	vst v63  }
0xa4: {  	_ =	swait.ge [sflag:s23], $0x2000  }
0xa5: {  	[sflag:s23] =	ssyncset.done $0x0  }
.Ltmp0:
0xa6: {  	s8 =	sadd.s32 $0x700, s2;
	[sflag:s23] =	ssyncadd.s32 $0xFFFFE000;
	(pc) =	sbr.rel @p0 .LBB2_2-.Ltmp0, $4  }
0xa7: {  	[tilespmem:s22], [sflag:$0x7] =	stream.indirect.gather [hbm4b:s3+s10], $0x40, s8, s10, $0xb8;
	[tilespmem:$0x15000] =	vst v63  }
0xa8: {  	_ =	swait.ge [sflag:s5], $0x2000  }
0xa9: {  	[sflag:s5] =	ssyncset.done $0x0  }
0xaa: {  	s2 =	sadd.s32 $0x780, s2;
	[sflag:s5] =	ssyncadd.s32 $0xFFFFE000  }
0xab: {  	[tilespmem:s24], [sflag:$0x8] =	stream.indirect.gather [hbm4b:s3+s10], $0x40, s2, s10, $0xb8;
	[tilespmem:$0x15000] =	vst v63  }
0xac: {  	_ =	swait.ge [sflag:s25], $0x2000  }
0xad: {  	[sflag:s25] =	ssyncset.done $0x0  }
0xae: {  	s6 =	simm.s32 $0x4C00;
	[sflag:s25] =	ssyncadd.s32 $0xFFFFE000  }
0xaf: {  	[hbm4b:s4+s10] =	stream.indirect.scatter [tilespmem:s11], [sflag:$0x9], $0x40, s6, s10, $0xb8;
	[tilespmem:$0x15000] =	vst v63  }
0xb0: {  	_ =	swait.ge [sflag:s26], $0x2000  }
0xb1: {  	[sflag:s26] =	ssyncset.done $0x0  }
0xb2: {  	s7 =	simm.s32 $0x4C80;
	[sflag:s26] =	ssyncadd.s32 $0xFFFFE000  }
0xb3: {  	[hbm4b:s4+s10] =	stream.indirect.scatter [tilespmem:s12], [sflag:$0xA], $0x40, s7, s10, $0xb8;
	[tilespmem:$0x15000] =	vst v63  }
0xb4: {  	_ =	swait.ge [sflag:s28], $0x2000  }
0xb5: {  	[sflag:s28] =	ssyncset.done $0x0  }
0xb6: {  	s8 =	simm.s32 $0x4D00;
	[sflag:s28] =	ssyncadd.s32 $0xFFFFE000  }
0xb7: {  	[hbm4b:s4+s10] =	stream.indirect.scatter [tilespmem:s14], [sflag:$0xB], $0x40, s8, s10, $0xb8;
	[tilespmem:$0x15000] =	vst v63  }
0xb8: {  	_ =	swait.ge [sflag:s29], $0x2000  }
0xb9: {  	[sflag:s29] =	ssyncset.done $0x0  }
0xba: {  	s6 =	simm.s32 $0x4D80;
	[sflag:s29] =	ssyncadd.s32 $0xFFFFE000  }
0xbb: {  	[hbm4b:s4+s10] =	stream.indirect.scatter [tilespmem:s16], [sflag:$0xC], $0x40, s6, s10, $0xb8;
	[tilespmem:$0x15000] =	vst v63  }
0xbc: {  	_ =	swait.ge [sflag:s30], $0x2000  }
0xbd: {  	[sflag:s30] =	ssyncset.done $0x0  }
0xbe: {  	s7 =	simm.s32 $0x4E00;
	[sflag:s30] =	ssyncadd.s32 $0xFFFFE000  }
0xbf: {  	[hbm4b:s4+s10] =	stream.indirect.scatter [tilespmem:s18], [sflag:$0xD], $0x40, s7, s10, $0xb8;
	[tilespmem:$0x15000] =	vst v63  }
0xc0: {  	_ =	swait.ge [sflag:s31], $0x2000  }
0xc1: {  	[sflag:s31] =	ssyncset.done $0x0  }
0xc2: {  	s8 =	simm.s32 $0x4E80;
	[sflag:s31] =	ssyncadd.s32 $0xFFFFE000  }
0xc3: {  	[hbm4b:s4+s10] =	stream.indirect.scatter [tilespmem:s20], [sflag:$0xE], $0x40, s8, s10, $0xb8;
	[tilespmem:$0x15000] =	vst v63  }
0xc4: {  	_ =	swait.ge [sflag:s1], $0x2000  }
0xc5: {  	[sflag:s1] =	ssyncset.done $0x0  }
0xc6: {  	s6 =	simm.s32 $0x4F00;
	[sflag:s1] =	ssyncadd.s32 $0xFFFFE000  }
0xc7: {  	[hbm4b:s4+s10] =	stream.indirect.scatter [tilespmem:s22], [sflag:$0xF], $0x40, s6, s10, $0xb8;
	[tilespmem:$0x15000] =	vst v63  }
0xc8: {  	_ =	swait.ge [sflag:s0], $0x2000  }
0xc9: {  	[sflag:s0] =	ssyncset.done $0x0  }
0xca: {  	s7 =	simm.s32 $0x4F80;
	[sflag:s0] =	ssyncadd.s32 $0xFFFFE000  }
0xcb: {  	[hbm4b:s4+s10] =	stream.indirect.scatter [tilespmem:s24], [sflag:$0x10], $0x40, s7, s10, $0xb8;
	[tilespmem:$0x15000] =	vst v63  }
0xcc: {  	_ =	swait.ge [sflag:s9], $0x2000  }
0xcd: {  	[sflag:s9] =	ssyncset.done $0x0  }
0xce: {  	[sflag:s9] =	ssyncadd.s32 $0xFFFFE000  }
0xcf: {  	_ =	swait.ge [sflag:s13], $0x2000  }
0xd0: {  	[sflag:s13] =	ssyncset.done $0x0  }
0xd1: {  	[sflag:s13] =	ssyncadd.s32 $0xFFFFE000  }
0xd2: {  	_ =	swait.ge [sflag:s15], $0x2000  }
0xd3: {  	[sflag:s15] =	ssyncset.done $0x0  }
0xd4: {  	[sflag:s15] =	ssyncadd.s32 $0xFFFFE000  }
0xd5: {  	_ =	swait.ge [sflag:s17], $0x2000  }
0xd6: {  	[sflag:s17] =	ssyncset.done $0x0  }
0xd7: {  	[sflag:s17] =	ssyncadd.s32 $0xFFFFE000  }
0xd8: {  	_ =	swait.ge [sflag:s19], $0x2000  }
0xd9: {  	[sflag:s19] =	ssyncset.done $0x0  }
0xda: {  	[sflag:s19] =	ssyncadd.s32 $0xFFFFE000  }
0xdb: {  	_ =	swait.ge [sflag:s21], $0x2000  }
0xdc: {  	[sflag:s21] =	ssyncset.done $0x0  }
0xdd: {  	[sflag:s21] =	ssyncadd.s32 $0xFFFFE000  }
0xde: {  	_ =	swait.ge [sflag:s23], $0x2000  }
0xdf: {  	[sflag:s23] =	ssyncset.done $0x0  }
0xe0: {  	[sflag:s23] =	ssyncadd.s32 $0xFFFFE000  }
0xe1: {  	_ =	swait.ge [sflag:s5], $0x2000  }
0xe2: {  	s6 =	rddreg [dreg:$0x6]  }
0xe3: {  	s8 =	rddreg [dreg:$0x5];
	s6 =	sadd.s32 $0x1, s6  }
0xe4: {  	p0 =	sne.s32 s6, s8  }
.Ltmp1:
0xe5: {  	_ = 	snop;
	(pc) =	sbr.rel @p0 .LBB2_1-.Ltmp1, $3  }
0xe6: {  	_ =	sdelay $0x1  }
0xe7: {  	[sflag:s5] =	ssyncset.done $0x0  }
0xe8: {  	[sflag:s5] =	ssyncadd.s32 $0xFFFFE000  }
0xe9: {  	_ =	sfence.sel $0x180000  }
0xea: {  	[bflag:$0x0] =	sbarrier.arrive $0xFFFF  }
0xeb: {  	_ =	strace $0x90000047  }
0xec: {  	s0 =	stileid.u32;
	[bflag:$0x2] =	sbarrier.arrive $0xFFFF  }
0xed: {  	p0 =	sne.s32 s0, $0x0;
	s0 =	rddreg [dreg:$0x2]  }
0xee: {  	s0 =	sadd.s32 @!p0 $0x100000, s0  }
0xef: {  	[sflag:s0] =	ssyncadd.tile.s32 @!p0 $0x1;
	_ =	shalt  }
.Lfunc_end2:
_tile_overlayer_lowered:
.L_overlay_start_2:
0xf0: {  	(tag) =	ssettag $0x2  }
0xf1: {  	s0 =	rddreg [dreg:$0x0];
	s2 =	stileid.u32  }
0xf2: {  	s1 =	rddreg [dreg:$0x1];
	p0 =	sne.s32 s2, $0x0  }
0xf3: {  	s3 =	rddreg [dreg:$0x2];
	[bflag:$0x3] =	sbarrier.arrive $0xFFFF;
	s2 =	simm.s32 @!p0 $0x1C11  }
0xf4: {  	[timem:s3], [sflag:s2] =	dma.local @!p0 [hbm:s0], s1  }
0xf5: {  	s0 =	simm.s32 @!p0 $0x11  }
0xf6: {  	_ =	swait.ge @!p0 [sflag:s0], s1  }
0xf7: {  	s1 =	ssub.s32 @!p0 $0x0, s1;
	[sflag:s0] =	ssyncset.done @!p0 $0x0  }
0xf8: {  	[sflag:s0] =	ssyncadd.s32 @!p0 s1  }
0xf9: {  	[bflag:$0x3] =	sbarrier.arrive $0xFFFF  }
0xfa: {  	_ =	shalt  }

// kernel: sparse-core-data-format-call.cloned.1.call-start
scs
called_computation_lowered:
.L_overlay_start_0:
0x0: {  	s2 =	sld [smem:$0x3FD9]  }
0x1: {  	s3 =	sld [smem:$0x3FFE];
	_ =	sdelay $0x1  }
0x2: {  	s1 =	srdreg.scid  }
0x3: {  	s0 =	sand.u32 $0x1, s1  }
0x4: {  	s18 =	sshll.u32 s0, $0xA;
	s2 =	sadd.s32 s3, s2  }
0x5: {  	s2 =	sadd.s32 s2, s18  }
0x6: {  	[smem:$0x3FC6] =	sst s2  }
0x7: {  	_ = 	snop  }
0x8: {  	s2 =	sld [smem:$0x3FD0];
	(tm) =	ssettm $0x1  }
0x9: {  	s19 =	sld [smem:$0x3FFB];
	_ =	sdelay $0x3  }
0xa: {  	_ =	strace s19  }
0xb: {  	s3 =	sld [smem:$0x3FFC];
	_ =	sdelay $0x3  }
0xc: {  	_ =	strace s3  }
0xd: {  	s3 =	sld [smem:$0x3FFD];
	_ =	sdelay $0x3  }
0xe: {  	_ =	strace s3  }
0xf: {  	_ =	strace $0x8FFFFFFF  }
0x10: {  	s20 =	sld [smem:$0x3FDB];
	_ =	sdelay $0x1  }
0x11: {  	s4 =	simm.s32 $_scs_section_size  }
0x12: {  	s5 =	simm.s32 $_size__tile_overlayer_lowered;
	s6 =	simm.s32 $_tile_overlayer_lowered  }
0x13: {  	s23 =	simm.s32 $0x1BFF;
	s22 =	sshll.u32 s6, $0x1;
	s3 =	sadd.s32 s4, s20  }
0x14: {  	s7 =	simm.s32 $0x0;
	s21 =	sshll.u32 s5, $0x1;
	s5 =	sadd.s32 s22, s3  }
0x15: {  	[timem:s7], [sflag:s23] =	dma.local [hbm:s5], s21  }
0x16: {  	_ =	swait.ge [sflag:s23], s21  }
0x17: {  	s4 =	ssub.s32 $0x0, s21;
	[sflag:s23] =	ssyncset.done $0x0  }
0x18: {  	[sflag:s23] =	ssyncadd.s32 s4;
	_ =	sdelay $0x1  }
0x19: {  	s24 =	simm.s32 $0x1B8B  }
0x1a: {  	_ =	swait.ge [sflag:s24], $0x1  }
0x1b: {  	[sflag:s24] =	ssyncset.done $0x0  }
0x1c: {  	s26 =	simm.s32 $0x1B8E;
	s25 =	sld [smem:$0x3FFE];
	[sflag:s24] =	ssyncadd.s32 $0xFFFFFFFF  }
0x1d: {  	s27 =	simm.s32 $execute0_lowered;
	[smem:$0x3FD2] =	sst s26  }
0x1e: {  	s5 =	sshll.u32 s27, $0x1;
	_ =	strace $0x80000049;
	[dreg:$0x1] =	wrdreg $0xFFFFFFFF  }
0x1f: {  	s28 =	simm.s32 $_size_execute0_lowered;
	s3 =	sadd.s32 s3, s5;
	[dreg:$0x0] =	wrdreg $0x0  }
0x20: {  	s5 =	sshll.u32 s28, $0x1;
	[dreg:$0x2] =	wrdreg s3  }
0x21: {  	[dreg:$0x3] =	wrdreg s5  }
0x22: {  	[dreg:$0x4] =	wrdreg $0xC0  }
0x23: {  	_ =	task [dreg:s7], $0x5FFFF  }
0x24: {  	[dreg:$0x1] =	wrdreg $0xFFFFFFFF  }
0x25: {  	[dreg:$0x0] =	wrdreg $0x60  }
0x26: {  	[dreg:$0x2] =	wrdreg s25  }
0x27: {  	[dreg:$0x3] =	wrdreg s2  }
0x28: {  	[dreg:$0x4] =	wrdreg $0x9  }
0x29: {  	_ =	task.clear_ibuf [dreg:s7], $0x5FFFF;
	_ =	strace $0x90000049  }
0x2a: {  	s29 =	simm.s32 $0x9;
	_ =	strace $0x8000004B  }
0x2b: {  	_ =	swait.ge [sflag:s29], $0x1  }
0x2c: {  	[sflag:s29] =	ssyncadd.s32 $0xFFFFFFFF  }
0x2d: {  	_ =	strace $0x9000004B  }
0x2e: {  	_ =	sfence  }
0x2f: {  	s30 =	sld [smem:$0x0];
	_ =	sdelay $0x2  }
0x30: {  	s31 =	sshll.u32 s1, $0xD;
	s1 =	sshrl.u32 s1, $0x2  }
0x31: {  	s3 =	sand.u32 $0x4000, s31;
	s1 =	sadd.s32 s1, s30  }
0x32: {  	s0 =	sor.u32 s3, s0;
	s1 =	sshll.u32 s1, $0x11  }
0x33: {  	s0 =	sor.u32 s1, s0  }
0x34: {  	s0 =	sadd.s32 $0x8F2B, s0  }
0x35: {  	[sflag:s0] =	ssyncadd.remote.s32 $0x1  }
0x36: {  	_ =	sfence.sel $0xFFFF  }
0x37: {  	[dreg:$0x0] =	wrdreg $0xFFFFFFFF;
	(pc) =	sbr.abs _section_cstart, $3  }
0x38: {  	[dreg:$0x1] =	wrdreg $0xFFFFFFFF  }
0x39: {  	_ =	task.clear_ibuf [dreg:s7], $0x2FFFF;
	_ =	strace $0x9FFFFFFF  }
0x3a: {  	(tm) =	ssettm $0x7FFFFFFF  }
0x3b: {  	_ =	shalt  }
tec
execute0_lowered:
.L_overlay_start_1:
0x0: {  	(tag) =	ssettag $0x1  }
0x1: {  	s0 =	srdreg.scid  }
0x2: {  	s1 =	sshll.u32 s0, $0x4  }
0x3: {  	s0 =	stileid.u32;
	s1 =	sand.u32 $0x10, s1  }
0x4: {  	s1 =	sor.u32 s0, s1  }
0x5: {  	s6 =	rddreg [dreg:$0x0];
	s4 =	simm.s32 $0x1;
	s2 =	sshll.u32 s1, $0x7  }
0x6: {  	s7 =	simm.s32 $0x2;
	s12 =	simm.s32 $0x0;
	s1 =	ssub.s32 $0x4000, s2  }
0x7: {  	s8 =	simm.s32 $0x20000;
	s13 =	simm.s32 $0x0;
	s3 =	sand.u32 $0xF80, s1  }
0x8: {  	s9 =	simm.s32 $0x0;
	s5 =	sshrl.u32 s1, $0xC;
	p0 =	sne.s32 s3, $0x0  }
.Ltmp0:
0x9: {  	s1 =	rddreg [dreg:$0x2];
	s4 =	simm.s32 @!p0 $0x0;
	(pc) =	sbr.rel .LBB1_1-.Ltmp0, $4  }
0xa: {  	s11 =	simm.s32 $0x0;
	s3 =	rddreg [dreg:$0x1];
	s5 =	sadd.s32 s4, s5  }
0xb: {  	_ =	strace $0x8000004A;
	s4 =	simm.s32 $0x1;
	s5 =	smul.u32 $0x14, s5  }
0xc: {  	s6 =	sadd.s32 $0xAC00, s6;
	s10 =	smov.u32 s2;
	[sflag:s4] =	ssyncpa.u1 $0x0  }
0xd: {  	p0 =	por $0x0, $0x0;
	[sflag:s7] =	ssyncpa.u1 $0x0;
	s7 =	sor.u32 $0x1, s5  }
.LBB1_4:
0xe: {  	s16 =	sshll.u32 s13, $0x3;
	s17 =	sand.u32 $0x78, s13  }
0xf: {  	s30 =	sand.u32 $0x1F800, s13;
	s12 =	sshll.u32 s12, $0x11;
	s16 =	sand.u32 $0x3C00, s16  }
0x10: {  	[tilespmem:s15+$0x810 ss:$0x81] =	vst.msk $0xffff, v2;
	s31 =	sand.u32 $0x7, s13;
	s16 =	sor.u32 s17, s16;
	s17 =	sadd.s32 s3, s30  }
0x11: {  	[tilespmem:s15+$0x1020 ss:$0x81] =	vst.msk $0xffff, v0;
	s13 =	sshll.u32 s31, $0x12;
	s12 =	sadd.s32 s12, s17;
	s16 =	sshrl.u32 s16, $0x3  }
0x12: {  	[tilespmem:s15+$0x0 ss:$0x81] =	vst.msk $0xffff, v1;
	s13 =	sor.u32 $0x400, s13;
	s12 =	sadd.s32 s16, s12  }
0x13: {  	[hbm4b:s12+s13] =	stream.strided.scatter [tilespmem:s14], [sflag:$0x2], $0x2000, s8, s13, $0x20;
	[tilespmem:$0x8080] =	vst v63  }
.LBB1_5:
0x14: {  	s14 =	sadd.s32 $0x1, s9  }
0x15: {  	s12 =	sadd.s32 $0x1000, s10;
	s16 =	smov.u32 s10;
	p2 =	sgt.s32 s14, $0x13  }
0x16: {  	s16 =	smov.u32 @p2 s12  }
0x17: {  	s14 =	simm.s32 @p2 $0x0;
	p2 =	sgt.s32 s16, $0x3FFF  }
0x18: {  	s16 =	smov.u32 @p2 s2;
	p2 =	sne.s32 s11, s7  }
.Ltmp1:
0x19: {  	p1 =	slt.u32 s11, $0x2;
	(pc) =	sbr.rel @!p2 .LBB1_6-.Ltmp1, $4  }
0x1a: {  	s15 =	simm.s32 @!p1 $0x2  }
0x1b: {  	s13 =	smov.u32 s10;
	p0 =	por !p0, !p0;
	_ =	swait.ge @!p1 [sflag:s15], $0x2000  }
0x1c: {  	s12 =	smov.u32 s9;
	[sflag:s15] =	ssyncset.done @!p1 $0x0;
	s9 =	smov.u32 s14  }
0x1d: {  	s11 =	sadd.s32 $0x1, s11;
	[sflag:s15] =	ssyncadd.s32 @!p1 $0xFFFFE000;
	s10 =	smov.u32 s16  }
.LBB1_1:
0x1e: {  	p1 =	sge.u32 s11, s5  }
0x1f: {  	s14 =	sand.u32 @!p1 $0x1FFFFFF, s9  }
0x20: {  	s15 =	smulhi.u32 @!p1 $0xAAAAAAB, s14;
	_ =	sdelay $0x1  }
0x21: {  	s15 =	smul.u32 @!p1 $0x18, s15  }
0x22: {  	s16 =	sxor.u32 @!p1 $0xFFFFFFFF, s11;
	s17 =	smul.u32 @!p1 $0x180, s10  }
0x23: {  	s31 =	sadd.s32 $0xFFFFFFFF, s11;
	s16 =	sshll.u32 @!p1 s16, $0xD;
	s14 =	ssub.s32 @!p1 s14, s15  }
0x24: {  	s15 =	sand.u32 @!p1 $0x2000, s16;
	s16 =	sadd.s32 @!p1 s6, s17;
	s14 =	sshll.u32 @!p1 s14, $0x4  }
0x25: {  	s17 =	simm.s32 @!p1 $0xC00;
	s14 =	sadd.s32 @!p1 s14, s16;
	s16 =	simm.s32 @!p1 $0x40  }
0x26: {  	[tilespmem:s15], [sflag:$0x1] =	stream.strided.gather @!p1 [hbm4b:s14+s16], $0x2000, s17, s16, $0x38;
	[tilespmem:$0x8080] =	vst v63  }
0x27: {  	p1 =	sge.u32 s31, s5  }
.Ltmp2:
0x28: {  	_ = 	snop;
	(pc) =	sbr.rel @p1 .LBB1_5-.Ltmp2, $1  }
0x29: {  	_ =	sdelay $0x3  }
0x2a: {  	s14 =	simm.s32 $0x1  }
0x2b: {  	_ =	swait.ge [sflag:s4], $0x2000;
	s14 =	simm.s32 @!p0 $0x0  }
0x2c: {  	[sflag:s4] =	ssyncset.done $0x0;
	s15 =	sshll.u32 s14, $0xD  }
0x2d: {  	[sflag:s4] =	ssyncadd.s32 $0xFFFFE000;
	s18 =	sor.u32 $0x20, s15  }
0x2e: {  	s14 =	smul.u32 $0x8100, s14;
	v3 =	vld [tilespmem:s18+$0x10]  }
0x2f: {  	s30 =	sand.u32 $0x1, s11;
	v2 =	vld [tilespmem:s18+$0xFFFFFFF0]  }
0x30: {  	s15 =	smul.u32 $0x8100, s30;
	s14 =	sshrl.u32 s14, $0x2;
	v0 =	vld [tilespmem:s18+$0x0]  }
0x31: {  	v1 =	vld [tilespmem:s18+$0xFFFFFFE0];
	s16 =	sor.u32 $0x4000, s14  }
0x32: {  	s31 =	sshrl.u32 s15, $0x2;
	s15 =	sadd.s32 $0x0, s16  }
0x33: {  	s17 =	simm.s32 $0x4;
	s18 =	sadd.s32 $0x40, s18;
	s14 =	sor.u32 $0x4000, s31;
	[tilespmem:s15+$0x1830 ss:$0x81] =	vst.msk $0xffff, v3  }
.LBB1_3:
0x34: {  	v3 =	vld [tilespmem:s18+$0x10];
	p1 =	sne.s32 s17, $0x1FC;
	[tilespmem:s15+$0x810 ss:$0x81] =	vst.msk $0xffff, v2;
	s19 =	smov.u32 s17;
	s17 =	sadd.s32 $0x4, s17  }
.Ltmp3:
0x35: {  	v2 =	vld [tilespmem:s18+$0xFFFFFFF0];
	[tilespmem:s15+$0x1020 ss:$0x81] =	vst.msk $0xffff, v0;
	(pc) =	sbr.rel @p1 .LBB1_3-.Ltmp3, $4  }
0x36: {  	v0 =	vld [tilespmem:s18+$0x0];
	[tilespmem:s15+$0x0 ss:$0x81] =	vst.msk $0xffff, v1  }
0x37: {  	s15 =	sshra.s32 s19, $0x2;
	v1 =	vld [tilespmem:s18+$0xFFFFFFE0]  }
0x38: {  	s15 =	sadd.s32 s15, s16  }
0x39: {  	s18 =	sadd.s32 $0x40, s18;
	[tilespmem:s15+$0x1830 ss:$0x81] =	vst.msk $0xffff, v3  }
.Ltmp4:
0x3a: {  	_ = 	snop;
	(pc) =	sbr.rel .LBB1_4-.Ltmp4, $1  }
0x3b: {  	_ =	sdelay $0x3  }
.LBB1_6:
0x3c: {  	_ =	sfence.sel $0x180000  }
0x3d: {  	s2 =	simm.s32 $0x1;
	[bflag:$0x0] =	sbarrier.arrive $0xFFFF  }
0x3e: {  	s31 =	simm.s32 $0x2;
	[sflag:s2] =	ssyncpa.u1 $0x1  }
0x3f: {  	[sflag:s31] =	ssyncpa.u1 $0x1  }
0x40: {  	p0 =	sne.s32 s0, $0x0;
	_ =	strace $0x9000004A  }
0x41: {  	s0 =	sadd.s32 @!p0 $0x100000, s1;
	[bflag:$0x2] =	sbarrier.arrive $0xFFFF  }
0x42: {  	[sflag:s0] =	ssyncadd.tile.s32 @!p0 $0x1;
	_ =	shalt  }
.Lfunc_end1:
_tile_overlayer_lowered:
.L_overlay_start_2:
0x43: {  	(tag) =	ssettag $0x2  }
0x44: {  	s0 =	rddreg [dreg:$0x0];
	s2 =	stileid.u32  }
0x45: {  	s1 =	rddreg [dreg:$0x1];
	p0 =	sne.s32 s2, $0x0  }
0x46: {  	s3 =	rddreg [dreg:$0x2];
	[bflag:$0x3] =	sbarrier.arrive $0xFFFF;
	s2 =	simm.s32 @!p0 $0x1C01  }
0x47: {  	[timem:s3], [sflag:s2] =	dma.local @!p0 [hbm:s0], s1  }
0x48: {  	s0 =	simm.s32 @!p0 $0x1  }
0x49: {  	_ =	swait.ge @!p0 [sflag:s0], s1  }
0x4a: {  	s1 =	ssub.s32 @!p0 $0x0, s1;
	[sflag:s0] =	ssyncset.done @!p0 $0x0  }
0x4b: {  	[sflag:s0] =	ssyncadd.s32 @!p0 s1  }
0x4c: {  	[bflag:$0x3] =	sbarrier.arrive $0xFFFF  }
0x4d: {  	_ =	shalt  }

</sc_bundles>
